<compile_context>
chip_gen: v7x
topology: tpu7x:2x2x1
jax: 0.10.2.dev20260603
libtpu: 0.0.44.dev20260713+nightly
codegen_flags: <defaults>
</compile_context>

<pallas_src>
import functools

import jax
import jax.numpy as jnp
from jax import lax
from jax.experimental import pallas as pl
from jax.experimental.pallas import tpu as pltpu
from jax.experimental.pallas import tpu_sc as plsc

B = 8
N = 4096
D = 64
S = 512
K = 32
RADIUS = 0.2
CPAD = 128
ROWS = B * S * K
GROUPS = B * S



def _fps_body(xyz_ref, far0_ref, nxt_ref):
    xyz24 = xyz_ref[...].reshape(B * 3, N)
    iota = lax.broadcasted_iota(jnp.int32, (B, N), 1)
    iota24 = lax.broadcasted_iota(jnp.int32, (B * 3, N), 1)

    def body(i, carry):
        dist, far = carry
        far24 = jnp.broadcast_to(far[:, None, :], (B, 3, 1)).reshape(B * 3, 1)
        c24 = jnp.sum(jnp.where(iota24 == far24, xyz24, 0.0), axis=1, keepdims=True)
        nxt_ref[pl.ds(i, 1), :, :] = c24.reshape(1, B, 3)
        diff = xyz24 - c24
        d = jnp.sum((diff * diff).reshape(B, 3, N), axis=1)
        dist = jnp.minimum(dist, d)
        mx = jnp.max(dist, axis=1, keepdims=True)
        far_new = jnp.min(jnp.where(dist == mx, iota, N), axis=1, keepdims=True)
        return dist, far_new

    dist0 = jnp.full((B, N), 1e10, dtype=jnp.float32)
    lax.fori_loop(0, S, body, (dist0, far0_ref[...]))


def _fps(xyz, far0):
    return pl.pallas_call(
        _fps_body,
        out_shape=jax.ShapeDtypeStruct((S, B, 3), jnp.float32),
    )(xyz, far0)



SBLK = 256


def _ballq_body(nxt_ref, xyz_ref, idx_ref):
    b = pl.program_id(0)
    nxt = nxt_ref[0]
    xb = xyz_ref[0]
    s2 = jnp.sum(nxt * nxt, axis=1, keepdims=True)
    d2 = jnp.sum(xb * xb, axis=0, keepdims=True)
    prod = lax.dot_general(nxt, xb, (((1,), (0,)), ((), ())),
                           preferred_element_type=jnp.float32)
    dist = s2 + d2 - 2.0 * prod
    maskf = (dist <= RADIUS * RADIUS).astype(jnp.float32)

    m2 = maskf.reshape(SBLK * 32, 128)
    r = lax.broadcasted_iota(jnp.int32, (128, 128), 0)
    c = lax.broadcasted_iota(jnp.int32, (128, 128), 1)
    tri_incl = (r <= c).astype(jnp.float32)
    cs_in = lax.dot_general(m2, tri_incl, (((1,), (0,)), ((), ())),
                            preferred_element_type=jnp.float32)
    cs_in = cs_in.reshape(SBLK, 32, 128)
    tot = jnp.sum(maskf.reshape(SBLK, 32, 128), axis=2)
    r32 = lax.broadcasted_iota(jnp.int32, (32, 32), 0)
    c32 = lax.broadcasted_iota(jnp.int32, (32, 32), 1)
    tri_excl = (r32 < c32).astype(jnp.float32)
    off = lax.dot_general(tot, tri_excl, (((1,), (0,)), ((), ())),
                          preferred_element_type=jnp.float32)
    csum = cs_in + off[:, :, None]
    cnt = jnp.sum(tot, axis=1, keepdims=True)

    base = (b * N).astype(jnp.int32) if hasattr(b, "astype") else b * N
    raw0 = jnp.sum((csum <= 0.0).astype(jnp.float32), axis=(1, 2))[:, None]
    first = jnp.where(cnt > 0.0, raw0, 0.0)
    for k in range(K):
        if k == 0:
            raw = raw0
        else:
            raw = jnp.sum((csum <= float(k)).astype(jnp.float32), axis=(1, 2))[:, None]
        sel = jnp.where(float(k) < cnt, raw, first)
        idx_ref[0, :, pl.ds(k, 1)] = sel.astype(jnp.int32) + base


def _ballq(nxt, xyz):
    grid = (B, S // SBLK)
    return pl.pallas_call(
        _ballq_body,
        grid=grid,
        in_specs=[
            pl.BlockSpec((1, SBLK, 3), lambda b, s: (b, s, 0)),
            pl.BlockSpec((1, 3, N), lambda b, s: (b, 0, 0)),
        ],
        out_specs=pl.BlockSpec((1, SBLK, K), lambda b, s: (b, s, 0)),
        out_shape=jax.ShapeDtypeStruct((B, S, K), jnp.int32),
    )(nxt, xyz)



GCHUNK = 128
PER_W = ROWS // 32


def _sc_gather(table, idx_flat):
    mesh = plsc.VectorSubcoreMesh(core_axis_name="c", subcore_axis_name="s")

    @functools.partial(
        pl.kernel,
        mesh=mesh,
        out_type=jax.ShapeDtypeStruct((ROWS, CPAD), jnp.float32),
        scratch_types=[
            pltpu.VMEM((GCHUNK,), jnp.int32),
            pltpu.VMEM((GCHUNK, CPAD), jnp.float32),
            pltpu.SemaphoreType.DMA,
        ],
    )
    def gather_k(table_hbm, idx_hbm, out_hbm, idx_v, rows_v, sem):
        wid = lax.axis_index("s") * 2 + lax.axis_index("c")
        base = wid * PER_W

        def body(i, carry):
            off = base + i * GCHUNK
            pltpu.sync_copy(idx_hbm.at[pl.ds(off, GCHUNK)], idx_v)
            pltpu.async_copy(table_hbm.at[idx_v], rows_v, sem).wait()
            pltpu.sync_copy(rows_v, out_hbm.at[pl.ds(off, GCHUNK)])
            return carry

        lax.fori_loop(0, PER_W // GCHUNK, body, 0)

    return gather_k(table, idx_flat)



RBLK = 8192
GBLK = RBLK // K


def _mlp1_body(xg_ref, nxt_ref, w_ref, b_ref, y_ref, st_ref):
    i = pl.program_id(0)
    xg = xg_ref[...]
    w = w_ref[...]
    nxt = nxt_ref[...]
    c1 = lax.dot_general(nxt, w[0:3, :], (((1,), (0,)), ((), ())),
                         preferred_element_type=jnp.float32)
    c1r = jnp.broadcast_to(c1[:, None, :], (GBLK, K, 64)).reshape(RBLK, 64)
    y = lax.dot_general(xg, w, (((1,), (0,)), ((), ())),
                        preferred_element_type=jnp.float32) + b_ref[...] - c1r
    y_ref[...] = y

    @pl.when(i == 0)
    def _():
        st_ref[...] = jnp.zeros_like(st_ref)

    st_ref[0:1, :] += jnp.sum(y, axis=0, keepdims=True)
    st_ref[1:2, :] += jnp.sum(y * y, axis=0, keepdims=True)


def _mlp1(xg, nxt_rows, w0p, b0):
    grid = (ROWS // RBLK,)
    return pl.pallas_call(
        _mlp1_body,
        grid=grid,
        in_specs=[
            pl.BlockSpec((RBLK, CPAD), lambda i: (i, 0)),
            pl.BlockSpec((GBLK, 3), lambda i: (i, 0)),
            pl.BlockSpec((CPAD, 64), lambda i: (0, 0)),
            pl.BlockSpec((1, 64), lambda i: (0, 0)),
        ],
        out_specs=[
            pl.BlockSpec((RBLK, 64), lambda i: (i, 0)),
            pl.BlockSpec((8, 64), lambda i: (0, 0)),
        ],
        out_shape=[
            jax.ShapeDtypeStruct((ROWS, 64), jnp.float32),
            jax.ShapeDtypeStruct((8, 64), jnp.float32),
        ],
    )(xg, nxt_rows, w0p, b0)




def _mlp_body(y_ref, a_ref, d_ref, w_ref, b_ref, o_ref, st_ref):
    i = pl.program_id(0)
    h = jnp.maximum(y_ref[...] * a_ref[...] + d_ref[...], 0.0)
    y = lax.dot_general(h, w_ref[...], (((1,), (0,)), ((), ())),
                        preferred_element_type=jnp.float32) + b_ref[...]
    o_ref[...] = y

    @pl.when(i == 0)
    def _():
        st_ref[...] = jnp.zeros_like(st_ref)

    st_ref[0:1, :] += jnp.sum(y, axis=0, keepdims=True)
    st_ref[1:2, :] += jnp.sum(y * y, axis=0, keepdims=True)


def _mlp_layer(y, a, d, wt, b):
    cin = y.shape[1]
    cout = wt.shape[1]
    grid = (ROWS // RBLK,)
    return pl.pallas_call(
        _mlp_body,
        grid=grid,
        in_specs=[
            pl.BlockSpec((RBLK, cin), lambda i: (i, 0)),
            pl.BlockSpec((1, cin), lambda i: (0, 0)),
            pl.BlockSpec((1, cin), lambda i: (0, 0)),
            pl.BlockSpec((cin, cout), lambda i: (0, 0)),
            pl.BlockSpec((1, cout), lambda i: (0, 0)),
        ],
        out_specs=[
            pl.BlockSpec((RBLK, cout), lambda i: (i, 0)),
            pl.BlockSpec((8, cout), lambda i: (0, 0)),
        ],
        out_shape=[
            jax.ShapeDtypeStruct((ROWS, cout), jnp.float32),
            jax.ShapeDtypeStruct((8, cout), jnp.float32),
        ],
    )(y, a, d, wt, b)




def _pool_body(y_ref, a_ref, d_ref, o_ref):
    h = jnp.maximum(y_ref[...] * a_ref[...] + d_ref[...], 0.0)
    o_ref[...] = jnp.max(h.reshape(GBLK, K, 128), axis=1)


def _pool(y, a, d):
    grid = (ROWS // RBLK,)
    return pl.pallas_call(
        _pool_body,
        grid=grid,
        in_specs=[
            pl.BlockSpec((RBLK, 128), lambda i: (i, 0)),
            pl.BlockSpec((1, 128), lambda i: (0, 0)),
            pl.BlockSpec((1, 128), lambda i: (0, 0)),
        ],
        out_specs=pl.BlockSpec((GBLK, 128), lambda i: (i, 0)),
        out_shape=jax.ShapeDtypeStruct((GROUPS, 128), jnp.float32),
    )(y, a, d)




def _bn_coeffs(st, g, be):
    mean = st[0] / float(ROWS)
    var = st[1] / float(ROWS) - mean * mean
    a = g / jnp.sqrt(var + 1e-5)
    d = be - mean * a
    return a[None, :], d[None, :]


def kernel(xyz, points, W0, b0, g0, be0, W1, b1, g1, be1, W2, b2, g2, be2):
    far0 = jax.random.randint(jax.random.key(7), (B,), 0, N).astype(jnp.int32)
    nxt_tmp = _fps(xyz, far0.reshape(B, 1))
    nxt = jnp.transpose(nxt_tmp, (1, 0, 2))
    new_xyz = jnp.transpose(nxt, (0, 2, 1))

    idx = _ballq(nxt, xyz)
    idx_flat = idx.reshape(ROWS)

    xyz_rows = jnp.transpose(xyz, (0, 2, 1)).reshape(B * N, 3)
    pts_rows = jnp.transpose(points, (0, 2, 1)).reshape(B * N, D)
    table = jnp.concatenate(
        [xyz_rows, pts_rows, jnp.zeros((B * N, CPAD - 3 - D), jnp.float32)], axis=1)
    gathered = _sc_gather(table, idx_flat)

    w0p = jnp.concatenate(
        [W0.T, jnp.zeros((CPAD - 3 - D, W0.shape[0]), jnp.float32)], axis=0)
    y1, st1 = _mlp1(gathered, nxt.reshape(GROUPS, 3), w0p, b0[None, :])
    a1, d1 = _bn_coeffs(st1, g0, be0)
    y2, st2 = _mlp_layer(y1, a1, d1, W1.T, b1[None, :])
    a2, d2 = _bn_coeffs(st2, g1, be1)
    y3, st3 = _mlp_layer(y2, a2, d2, W2.T, b2[None, :])
    a3, d3 = _bn_coeffs(st3, g2, be2)
    pooled = _pool(y3, a3, d3)
    new_points = jnp.transpose(pooled.reshape(B, S, 128), (0, 2, 1))
    return (new_xyz, new_points)

# --- scband reference (transcript-rebuilt; emitter-appended) ---
"""Pipeline reference for scband-set-abstraction-85066122265181 (READ-ONLY COPY).

The authoritative reference and input builder live on the scoring server;
editing this copy changes nothing except your own understanding.
"""

import jax, jax.numpy as jnp
import numpy as np

B = 8
N = 4096
D = 64
NPOINT = 512
RADIUS = 0.2
NSAMPLE = 32
MLP = [64, 64, 128]
IN_CH = 3 + D


def index_points(points, idx):
    Bp, C, Np = points.shape
    raw_shape = idx.shape
    idx_flat = jnp.clip(idx.reshape(Bp, -1).astype(jnp.int32), 0, Np - 1)
    points_t = jnp.transpose(points, (0, 2, 1))
    gathered = jnp.take_along_axis(points_t, idx_flat[:, :, None], axis=1)
    out = jnp.transpose(gathered, (0, 2, 1))
    return out.reshape(Bp, C, *raw_shape[1:])


def square_distance(src, dst):
    src_t = jnp.transpose(src, (0, 2, 1))
    dst_t = jnp.transpose(dst, (0, 2, 1))
    return (jnp.sum(src_t[:, :, None, :] ** 2, -1)
            + jnp.sum(dst_t[:, None, :, :] ** 2, -1)
            - 2.0 * jnp.matmul(src_t, jnp.transpose(dst_t, (0, 2, 1))))


def farthest_point_sample(xyz, npoint):
    Bp, C, Np = xyz.shape
    xyz_t = jnp.transpose(xyz, (0, 2, 1))
    farthest = jax.random.randint(jax.random.key(7), (Bp,), 0, Np)
    distance = jnp.full((Bp, Np), 1e10, dtype=xyz.dtype)
    centroids = jnp.zeros((Bp, npoint), dtype=jnp.int32)
    bidx = jnp.arange(Bp)

    def body(i, carry):
        cen, dist_c, far = carry
        cen = cen.at[:, i].set(far.astype(jnp.int32))
        centroid = xyz_t[bidx, far, :][:, None, :]
        d = jnp.sum((xyz_t - centroid) ** 2, -1)
        dist_c = jnp.minimum(dist_c, d)
        far = jnp.argmax(dist_c, -1)
        return (cen, dist_c, far)

    centroids, _, _ = jax.lax.fori_loop(0, npoint, body, (centroids, distance, farthest))
    return centroids


def query_ball_point(radius, nsample, xyz, new_xyz):
    Bp, C, Np = xyz.shape
    S = new_xyz.shape[2]
    dist = square_distance(new_xyz, xyz)
    group_idx = jnp.broadcast_to(jnp.arange(Np, dtype=jnp.int32)[None, None, :], (Bp, S, Np))
    group_idx = jnp.where(dist > radius ** 2, Np, group_idx)
    group_idx = jnp.sort(group_idx, axis=-1)[:, :, :nsample]
    mask = group_idx == Np
    first = group_idx[:, :, 0]
    first = jnp.where(first == Np, 0, first)
    group_idx = jnp.where(mask, first[:, :, None], group_idx)
    return group_idx


def _conv_bn_relu(x, W, b, g, be):
    y = jnp.einsum('oc,bcsk->bosk', W, x) + b[None, :, None, None]
    mean = jnp.mean(y, axis=(0, 2, 3), keepdims=True)
    var = jnp.mean((y - mean) ** 2, axis=(0, 2, 3), keepdims=True)
    yn = (y - mean) / jnp.sqrt(var + 1e-5)
    return jax.nn.relu(yn * g[None, :, None, None] + be[None, :, None, None])


def setup_inputs(seed: int = 0):
    key = jax.random.key(seed)
    ks = jax.random.split(key, 8)
    xyz = jax.random.uniform(ks[0], (B, 3, N), dtype=jnp.float32)
    points = jax.random.normal(ks[1], (B, D, N), dtype=jnp.float32)
    inp = {"xyz": xyz, "points": points}
    last = IN_CH
    for i, oc in enumerate(MLP):
        inp["W%d" % i] = jax.random.normal(ks[2 + i], (oc, last), dtype=jnp.float32) * (1.0 / np.sqrt(last))
        inp["b%d" % i] = jnp.zeros((oc,), dtype=jnp.float32)
        inp["g%d" % i] = jnp.ones((oc,), dtype=jnp.float32)
        inp["be%d" % i] = jnp.zeros((oc,), dtype=jnp.float32)
        last = oc
    return inp


def reference(xyz, points, W0, b0, g0, be0, W1, b1, g1, be1, W2, b2, g2, be2):
    centroids = farthest_point_sample(xyz, NPOINT)
    new_xyz = index_points(xyz, centroids)
    idx = query_ball_point(RADIUS, NSAMPLE, xyz, new_xyz)
    grouped_xyz = index_points(xyz, idx) - new_xyz[:, :, :, None]
    grouped = jnp.concatenate([grouped_xyz, index_points(points, idx)], axis=1)
    h = grouped
    for W, b, g, be in [(W0, b0, g0, be0), (W1, b1, g1, be1), (W2, b2, g2, be2)]:
        h = _conv_bn_relu(h, W, b, g, be)
    new_points = jnp.max(h, axis=-1)
    return (new_xyz, new_points)

if __name__ == "__main__":
    import jax
    _d = setup_inputs()
    print(jax.jit(kernel)(*tuple(_d.values())))

</pallas_src>

<mosaic_0001>
#map = affine_map<(d0, d1) -> (0, 0)>
#map1 = affine_map<(d0, d1) -> (0)>
module attributes {stable_mosaic.version = 14 : i64} {
  func.func @gather_k(%arg0: i32, %arg1: i32, %arg2: memref<32768x128xf32, #tpu.memory_space<hbm>>, %arg3: memref<131072xi32, #tpu.memory_space<hbm>>, %arg4: memref<131072x128xf32, #tpu.memory_space<hbm>>, %arg5: memref<128xi32, #tpu.memory_space<vmem>>, %arg6: memref<128x128xf32, #tpu.memory_space<vmem>>, %arg7: memref<!tpu.dma_semaphore, #tpu.memory_space<semaphore_mem>>) attributes {dimension_semantics = [#tpu.dimension_semantics<core_parallel>, #tpu.dimension_semantics<subcore_parallel>], iteration_bounds = array<i64: 2, 16>, scalar_prefetch = 0 : i64, scratch_operands = 3 : i64, tpu.core_type = #tpu.core_type<sc_vector_subcore>, window_params = [{transform_indices = #map}, {transform_indices = #map1}, {transform_indices = #map}]} {
    %mul3A = arith.constant 2 : i32
    %mul3A_0 = arith.muli %arg1, %mul3A : i32
    %add3A = arith.addi %mul3A_0, %arg0 : i32
    %mul3A_1 = arith.constant 4096 : i32
    %mul3A_2 = arith.muli %add3A, %mul3A_1 : i32
    %scan3A = arith.constant 0 : i32
    %scan3A_3 = arith.constant 0 : i32
    %scan3A_4 = arith.constant 32 : i32
    %scan3A_5 = arith.addi %scan3A_3, %scan3A_4 : i32
    %scan3A_6 = arith.constant 1 : i32
    scf.for %scan3A_8 = %scan3A_3 to %scan3A_5 step %scan3A_6  : i32 {
      %mul3A_9 = arith.constant 128 : i32
      %mul3A_10 = arith.muli %scan3A_8, %mul3A_9 : i32
      %add3A_11 = arith.addi %mul3A_2, %mul3A_10 : i32
      "tpu.region"() ({
        %run_scoped3A = tpu.sem_alloc : memref<!tpu.dma_semaphore, #tpu.memory_space<semaphore_mem>>
        %dma_start3A_16 = tpu.memref_slice %arg3[%add3A_11] : memref<131072xi32, #tpu.memory_space<hbm>> -> memref<128xi32, #tpu.memory_space<hbm>>
        %dma_start3A_17 = tpu.memref_slice %arg3[%add3A_11] : memref<131072xi32, #tpu.memory_space<hbm>> -> memref<128xi32, #tpu.memory_space<hbm>>
        tpu.enqueue_dma source(%dma_start3A_17 : memref<128xi32, #tpu.memory_space<hbm>>) target(%arg5 : memref<128xi32, #tpu.memory_space<vmem>>) target_semaphore(%run_scoped3A : memref<!tpu.dma_semaphore, #tpu.memory_space<semaphore_mem>>)
        %dma_wait3A_18 = tpu.memref_slice %arg3[%add3A_11] : memref<131072xi32, #tpu.memory_space<hbm>> -> memref<128xi32, #tpu.memory_space<hbm>>
        %dma_wait3A_19 = tpu.memref_slice %arg3[%add3A_11] : memref<131072xi32, #tpu.memory_space<hbm>> -> memref<128xi32, #tpu.memory_space<hbm>>
        tpu.wait_dma2 semaphore(%run_scoped3A : memref<!tpu.dma_semaphore, #tpu.memory_space<semaphore_mem>>) src(%dma_wait3A_19 : memref<128xi32, #tpu.memory_space<hbm>>) dst(%arg5 : memref<128xi32, #tpu.memory_space<vmem>>)
        tpu.yield
      }) : () -> ()
      %dma_start3A = arith.constant 0 : i32
      %dma_start3A_12 = arith.constant 0 : i32
      %dma_start3A_13 = tpu.memref_slice %arg2[%dma_start3A, %dma_start3A_12] : memref<32768x128xf32, #tpu.memory_space<hbm>> -> memref<32768x128xf32, #tpu.memory_space<hbm>>
      tpu.enqueue_indirect_dma source(%dma_start3A_13 : memref<32768x128xf32, #tpu.memory_space<hbm>>) target(%arg6 : memref<128x128xf32, #tpu.memory_space<vmem>>) offsets(%arg5 : memref<128xi32, #tpu.memory_space<vmem>>) semaphore(%arg7 : memref<!tpu.dma_semaphore, #tpu.memory_space<semaphore_mem>>)
      %dma_wait3A = arith.constant 0 : i32
      %dma_wait3A_14 = arith.constant 0 : i32
      %dma_wait3A_15 = tpu.memref_slice %arg2[%dma_wait3A, %dma_wait3A_14] : memref<32768x128xf32, #tpu.memory_space<hbm>> -> memref<32768x128xf32, #tpu.memory_space<hbm>>
      tpu.wait_indirect_dma semaphore(%arg7 : memref<!tpu.dma_semaphore, #tpu.memory_space<semaphore_mem>>) src(%dma_wait3A_15 : memref<32768x128xf32, #tpu.memory_space<hbm>>) dst(%arg6 : memref<128x128xf32, #tpu.memory_space<vmem>>)
      "tpu.region"() ({
        %run_scoped3A = tpu.sem_alloc : memref<!tpu.dma_semaphore, #tpu.memory_space<semaphore_mem>>
        %dma_start3A_16 = arith.constant 0 : i32
        %dma_start3A_17 = tpu.memref_slice %arg4[%add3A_11, %dma_start3A_16] : memref<131072x128xf32, #tpu.memory_space<hbm>> -> memref<128x128xf32, #tpu.memory_space<hbm>>
        %dma_start3A_18 = arith.constant 0 : i32
        %dma_start3A_19 = tpu.memref_slice %arg4[%add3A_11, %dma_start3A_18] : memref<131072x128xf32, #tpu.memory_space<hbm>> -> memref<128x128xf32, #tpu.memory_space<hbm>>
        tpu.enqueue_dma source(%arg6 : memref<128x128xf32, #tpu.memory_space<vmem>>) target(%dma_start3A_19 : memref<128x128xf32, #tpu.memory_space<hbm>>) target_semaphore(%run_scoped3A : memref<!tpu.dma_semaphore, #tpu.memory_space<semaphore_mem>>)
        %dma_wait3A_20 = arith.constant 0 : i32
        %dma_wait3A_21 = tpu.memref_slice %arg4[%add3A_11, %dma_wait3A_20] : memref<131072x128xf32, #tpu.memory_space<hbm>> -> memref<128x128xf32, #tpu.memory_space<hbm>>
        %dma_wait3A_22 = arith.constant 0 : i32
        %dma_wait3A_23 = tpu.memref_slice %arg4[%add3A_11, %dma_wait3A_22] : memref<131072x128xf32, #tpu.memory_space<hbm>> -> memref<128x128xf32, #tpu.memory_space<hbm>>
        tpu.wait_dma2 semaphore(%run_scoped3A : memref<!tpu.dma_semaphore, #tpu.memory_space<semaphore_mem>>) src(%arg6 : memref<128x128xf32, #tpu.memory_space<vmem>>) dst(%dma_wait3A_23 : memref<128x128xf32, #tpu.memory_space<hbm>>)
        tpu.yield
      }) : () -> ()
    }
    %scan3A_7 = arith.constant 32 : i32
    return
  }
}

module attributes {stable_mosaic.version = 14 : i64} {
  func.func @_fps_body(%arg0: memref<8x3x4096xf32, #tpu.memory_space<vmem>>, %arg1: memref<8x1xi32, #tpu.memory_space<vmem>>, %arg2: memref<512x8x3xf32, #tpu.memory_space<vmem>>) attributes {dimension_semantics = [], scalar_prefetch = 0 : i64, scratch_operands = 0 : i64, tpu.core_type = #tpu.core_type<tc>} {
    %get3A = arith.constant 0 : index
    %get3A_0 = arith.constant 0 : index
    %get3A_1 = arith.constant 0 : index
    %get3A_2 = vector.load %arg0[%get3A, %get3A_0, %get3A_1] : memref<8x3x4096xf32, #tpu.memory_space<vmem>>, vector<8x3x4096xf32>
    %reshape3A = vector.shape_cast %get3A_2 : vector<8x3x4096xf32> to vector<24x4096xf32>
    %iota3A = tpu.iota {dimensions = array<i32: 1>} : vector<8x4096xi32>
    %iota3A_3 = tpu.iota {dimensions = array<i32: 1>} : vector<24x4096xi32>
    %broadcast_in_dim3A = arith.constant 1.000000e+10 : f32
    %broadcast_in_dim3A_4 = vector.broadcast %broadcast_in_dim3A : f32 to vector<8x4096xf32>
    %get3A_5 = arith.constant 0 : index
    %get3A_6 = arith.constant 0 : index
    %get3A_7 = vector.load %arg1[%get3A_5, %get3A_6] : memref<8x1xi32, #tpu.memory_space<vmem>>, vector<8x1xi32>
    %scan3A = arith.constant 0 : i32
    %scan3A_8 = arith.constant 512 : i32
    %scan3A_9 = arith.addi %scan3A, %scan3A_8 : i32
    %scan3A_10 = arith.constant 1 : i32
    %scan3A_11:2 = scf.for %scan3A_13 = %scan3A to %scan3A_9 step %scan3A_10 iter_args(%scan3A_14 = %broadcast_in_dim3A_4, %scan3A_15 = %get3A_7) -> (vector<8x4096xf32>, vector<8x1xi32>)  : i32 {
      %broadcast_in_dim3A_16 = vector.shape_cast %scan3A_15 : vector<8x1xi32> to vector<8x1x1xi32>
      %broadcast_in_dim3A_17 = vector.shape_cast %broadcast_in_dim3A_16 : vector<8x1x1xi32> to vector<8x1x1xi32>
      %broadcast_in_dim3A_18 = vector.broadcast %broadcast_in_dim3A_17 : vector<8x1x1xi32> to vector<8x3x1xi32>
      %reshape3A_19 = vector.shape_cast %broadcast_in_dim3A_18 : vector<8x3x1xi32> to vector<24x1xi32>
      %eq3A = vector.broadcast %reshape3A_19 : vector<24x1xi32> to vector<24x4096xi32>
      %eq3A_20 = arith.cmpi eq, %iota3A_3, %eq3A : vector<24x4096xi32>
      %jit3A = arith.constant 0.000000e+00 : f32
      %broadcast_in_dim3A_21 = vector.broadcast %jit3A : f32 to vector<24x4096xf32>
      %select_n3A = arith.select %eq3A_20, %reshape3A, %broadcast_in_dim3A_21 : vector<24x4096xi1>, vector<24x4096xf32>
      %reduce_sum3A = arith.constant dense<0.000000e+00> : vector<24xf32>
      %reduce_sum3A_22 = vector.multi_reduction <add>, %select_n3A, %reduce_sum3A [1] : vector<24x4096xf32> to vector<24xf32>
      %broadcast_in_dim3A_23 = vector.shape_cast %reduce_sum3A_22 : vector<24xf32> to vector<24x1xf32>
      %reshape3A_24 = vector.shape_cast %broadcast_in_dim3A_23 : vector<24x1xf32> to vector<1x8x3xf32>
      %swap3A = arith.index_cast %scan3A_13 : i32 to index
      %swap3A_25 = arith.constant 0 : index
      %swap3A_26 = arith.constant 0 : index
      %swap3A_27 = vector.load %arg2[%swap3A, %swap3A_25, %swap3A_26] : memref<512x8x3xf32, #tpu.memory_space<vmem>>, vector<1x8x3xf32>
      tpu.vector_store %arg2[%swap3A, %swap3A_25, %swap3A_26], %reshape3A_24 {strides = array<i32>} : memref<512x8x3xf32, #tpu.memory_space<vmem>>, vector<1x8x3xf32>,
      %sub3A = vector.broadcast %broadcast_in_dim3A_23 : vector<24x1xf32> to vector<24x4096xf32>
      %sub3A_28 = arith.subf %reshape3A, %sub3A : vector<24x4096xf32>
      %mul3A = arith.mulf %sub3A_28, %sub3A_28 : vector<24x4096xf32>
      %reshape3A_29 = vector.shape_cast %mul3A : vector<24x4096xf32> to vector<8x3x4096xf32>
      %reduce_sum3A_30 = arith.constant dense<0.000000e+00> : vector<8x4096xf32>
      %reduce_sum3A_31 = vector.multi_reduction <add>, %reshape3A_29, %reduce_sum3A_30 [1] : vector<8x3x4096xf32> to vector<8x4096xf32>
      %min3A = arith.minimumf %scan3A_14, %reduce_sum3A_31 : vector<8x4096xf32>
      %reduce_max3A = arith.constant dense<0xFF800000> : vector<8xf32>
      %reduce_max3A_32 = vector.multi_reduction <maximumf>, %min3A, %reduce_max3A [1] : vector<8x4096xf32> to vector<8xf32>
      %broadcast_in_dim3A_33 = vector.shape_cast %reduce_max3A_32 : vector<8xf32> to vector<8x1xf32>
      %eq3A_34 = vector.broadcast %broadcast_in_dim3A_33 : vector<8x1xf32> to vector<8x4096xf32>
      %eq3A_35 = arith.cmpf oeq, %min3A, %eq3A_34 : vector<8x4096xf32>
      %jit3A_36 = arith.constant 4096 : i32
      %broadcast_in_dim3A_37 = vector.broadcast %jit3A_36 : i32 to vector<8x4096xi32>
      %select_n3A_38 = arith.select %eq3A_35, %iota3A, %broadcast_in_dim3A_37 : vector<8x4096xi1>, vector<8x4096xi32>
      %reduce_min3A = arith.constant dense<2147483647> : vector<8xi32>
      %reduce_min3A_39 = vector.multi_reduction <minsi>, %select_n3A_38, %reduce_min3A [1] : vector<8x4096xi32> to vector<8xi32>
      %broadcast_in_dim3A_40 = vector.shape_cast %reduce_min3A_39 : vector<8xi32> to vector<8x1xi32>
      scf.yield %min3A, %broadcast_in_dim3A_40 : vector<8x4096xf32>, vector<8x1xi32>
    }
    %scan3A_12 = arith.constant 512 : i32
    return
  }
}

module attributes {stable_mosaic.version = 14 : i64} {
  func.func @_ballq_body(%arg0: i32, %arg1: i32, %arg2: memref<1x256x3xf32, #tpu.memory_space<vmem>>, %arg3: memref<1x3x4096xf32, #tpu.memory_space<vmem>>, %arg4: memref<1x256x32xi32, #tpu.memory_space<vmem>>) attributes {dimension_semantics = [#tpu.dimension_semantics<arbitrary>, #tpu.dimension_semantics<arbitrary>], iteration_bounds = array<i64: 8, 2>, scalar_prefetch = 0 : i64, scratch_operands = 0 : i64, tpu.core_type = #tpu.core_type<tc>, window_params = [{transform_indices = @transform_0, window_bounds = array<i64: 1, 256, 3>}, {transform_indices = @transform_1, window_bounds = array<i64: 1, 3, 4096>}, {transform_indices = @transform_2, window_bounds = array<i64: 1, 256, 32>}]} {
    %get3A = arith.constant 0 : index
    %get3A_0 = arith.constant 0 : index
    %get3A_1 = arith.constant 0 : index
    %get3A_2 = vector.load %arg2[%get3A, %get3A_0, %get3A_1] : memref<1x256x3xf32, #tpu.memory_space<vmem>>, vector<1x256x3xf32>
    %get3A_3 = vector.shape_cast %get3A_2 : vector<1x256x3xf32> to vector<256x3xf32>
    %get3A_4 = arith.constant 0 : index
    %get3A_5 = arith.constant 0 : index
    %get3A_6 = arith.constant 0 : index
    %get3A_7 = vector.load %arg3[%get3A_4, %get3A_5, %get3A_6] : memref<1x3x4096xf32, #tpu.memory_space<vmem>>, vector<1x3x4096xf32>
    %get3A_8 = vector.shape_cast %get3A_7 : vector<1x3x4096xf32> to vector<3x4096xf32>
    %mul3A = arith.mulf %get3A_3, %get3A_3 : vector<256x3xf32>
    %reduce_sum3A = arith.constant dense<0.000000e+00> : vector<256xf32>
    %reduce_sum3A_9 = vector.multi_reduction <add>, %mul3A, %reduce_sum3A [1] : vector<256x3xf32> to vector<256xf32>
    %broadcast_in_dim3A = vector.shape_cast %reduce_sum3A_9 : vector<256xf32> to vector<256x1xf32>
    %mul3A_10 = arith.mulf %get3A_8, %get3A_8 : vector<3x4096xf32>
    %reduce_sum3A_11 = arith.constant dense<0.000000e+00> : vector<4096xf32>
    %reduce_sum3A_12 = vector.multi_reduction <add>, %mul3A_10, %reduce_sum3A_11 [0] : vector<3x4096xf32> to vector<4096xf32>
    %broadcast_in_dim3A_13 = vector.shape_cast %reduce_sum3A_12 : vector<4096xf32> to vector<1x4096xf32>
    %dot_general3A = arith.constant dense<0.000000e+00> : vector<256x4096xf32>
    %dot_general3A_14 = tpu.matmul %get3A_3, %get3A_8, %dot_general3A {dimension_numbers = #tpu.dot_dimension_numbers<[1], [0], [0], [1], [0, 0, 1, 1], [], []>, transpose_lhs_hint = false} : vector<256x3xf32>, vector<3x4096xf32>, vector<256x4096xf32> -> vector<256x4096xf32>
    %add3A = vector.broadcast %broadcast_in_dim3A : vector<256x1xf32> to vector<256x4096xf32>
    %add3A_15 = vector.broadcast %broadcast_in_dim3A_13 : vector<1x4096xf32> to vector<256x4096xf32>
    %add3A_16 = arith.addf %add3A, %add3A_15 : vector<256x4096xf32>
    %mul3A_17 = arith.constant 2.000000e+00 : f32
    %mul3A_18 = vector.broadcast %mul3A_17 : f32 to vector<256x4096xf32>
    %mul3A_19 = arith.mulf %mul3A_18, %dot_general3A_14 : vector<256x4096xf32>
    %sub3A = arith.subf %add3A_16, %mul3A_19 : vector<256x4096xf32>
    %le3A = arith.constant 4.000000e-02 : f32
    %le3A_20 = vector.broadcast %le3A : f32 to vector<256x4096xf32>
    %le3A_21 = arith.cmpf ole, %sub3A, %le3A_20 : vector<256x4096xf32>
    %convert_element_type3A = arith.extui %le3A_21 : vector<256x4096xi1> to vector<256x4096xi32>
    %convert_element_type3A_22 = arith.sitofp %convert_element_type3A : vector<256x4096xi32> to vector<256x4096xf32>
    %reshape3A = vector.shape_cast %convert_element_type3A_22 : vector<256x4096xf32> to vector<8192x128xf32>
    %iota3A = tpu.iota {dimensions = array<i32: 0>} : vector<128x128xi32>
    %iota3A_23 = tpu.iota {dimensions = array<i32: 1>} : vector<128x128xi32>
    %le3A_24 = arith.cmpi sle, %iota3A, %iota3A_23 : vector<128x128xi32>
    %convert_element_type3A_25 = arith.extui %le3A_24 : vector<128x128xi1> to vector<128x128xi32>
    %convert_element_type3A_26 = arith.sitofp %convert_element_type3A_25 : vector<128x128xi32> to vector<128x128xf32>
    %dot_general3A_27 = arith.constant dense<0.000000e+00> : vector<8192x128xf32>
    %dot_general3A_28 = tpu.matmul %reshape3A, %convert_element_type3A_26, %dot_general3A_27 {dimension_numbers = #tpu.dot_dimension_numbers<[1], [0], [0], [1], [0, 0, 1, 1], [], []>, transpose_lhs_hint = false} : vector<8192x128xf32>, vector<128x128xf32>, vector<8192x128xf32> -> vector<8192x128xf32>
    %reshape3A_29 = vector.shape_cast %dot_general3A_28 : vector<8192x128xf32> to vector<256x32x128xf32>
    %reshape3A_30 = vector.shape_cast %convert_element_type3A_22 : vector<256x4096xf32> to vector<256x32x128xf32>
    %reduce_sum3A_31 = arith.constant dense<0.000000e+00> : vector<256x32xf32>
    %reduce_sum3A_32 = vector.multi_reduction <add>, %reshape3A_30, %reduce_sum3A_31 [2] : vector<256x32x128xf32> to vector<256x32xf32>
    %iota3A_33 = tpu.iota {dimensions = array<i32: 0>} : vector<32x32xi32>
    %iota3A_34 = tpu.iota {dimensions = array<i32: 1>} : vector<32x32xi32>
    %lt3A = arith.cmpi slt, %iota3A_33, %iota3A_34 : vector<32x32xi32>
    %convert_element_type3A_35 = arith.extui %lt3A : vector<32x32xi1> to vector<32x32xi32>
    %convert_element_type3A_36 = arith.sitofp %convert_element_type3A_35 : vector<32x32xi32> to vector<32x32xf32>
    %dot_general3A_37 = arith.constant dense<0.000000e+00> : vector<256x32xf32>
    %dot_general3A_38 = tpu.matmul %reduce_sum3A_32, %convert_element_type3A_36, %dot_general3A_37 {dimension_numbers = #tpu.dot_dimension_numbers<[1], [0], [0], [1], [0, 0, 1, 1], [], []>, transpose_lhs_hint = false} : vector<256x32xf32>, vector<32x32xf32>, vector<256x32xf32> -> vector<256x32xf32>
    %broadcast_in_dim3A_39 = vector.shape_cast %dot_general3A_38 : vector<256x32xf32> to vector<256x32x1xf32>
    %add3A_40 = vector.broadcast %broadcast_in_dim3A_39 : vector<256x32x1xf32> to vector<256x32x128xf32>
    %add3A_41 = arith.addf %reshape3A_29, %add3A_40 : vector<256x32x128xf32>
    %reduce_sum3A_42 = arith.constant dense<0.000000e+00> : vector<256xf32>
    %reduce_sum3A_43 = vector.multi_reduction <add>, %reduce_sum3A_32, %reduce_sum3A_42 [1] : vector<256x32xf32> to vector<256xf32>
    %broadcast_in_dim3A_44 = vector.shape_cast %reduce_sum3A_43 : vector<256xf32> to vector<256x1xf32>
    %mul3A_45 = arith.constant 4096 : i32
    %mul3A_46 = arith.muli %arg0, %mul3A_45 : i32
    %le3A_47 = arith.constant 0.000000e+00 : f32
    %le3A_48 = vector.broadcast %le3A_47 : f32 to vector<256x32x128xf32>
    %le3A_49 = arith.cmpf ole, %add3A_41, %le3A_48 : vector<256x32x128xf32>
    %convert_element_type3A_50 = arith.extui %le3A_49 : vector<256x32x128xi1> to vector<256x32x128xi32>
    %convert_element_type3A_51 = arith.sitofp %convert_element_type3A_50 : vector<256x32x128xi32> to vector<256x32x128xf32>
    %reduce_sum3A_52 = arith.constant dense<0.000000e+00> : vector<256xf32>
    %reduce_sum3A_53 = vector.multi_reduction <add>, %convert_element_type3A_51, %reduce_sum3A_52 [1, 2] : vector<256x32x128xf32> to vector<256xf32>
    %broadcast_in_dim3A_54 = vector.shape_cast %reduce_sum3A_53 : vector<256xf32> to vector<256x1xf32>
    %gt3A = arith.constant 0.000000e+00 : f32
    %gt3A_55 = vector.broadcast %gt3A : f32 to vector<256x1xf32>
    %gt3A_56 = arith.cmpf ogt, %broadcast_in_dim3A_44, %gt3A_55 : vector<256x1xf32>
    %jit3A = arith.constant 0.000000e+00 : f32
    %broadcast_in_dim3A_57 = vector.broadcast %jit3A : f32 to vector<256x1xf32>
    %select_n3A = arith.select %gt3A_56, %broadcast_in_dim3A_54, %broadcast_in_dim3A_57 : vector<256x1xi1>, vector<256x1xf32>
    %gt3A_58 = arith.constant 0.000000e+00 : f32
    %gt3A_59 = vector.broadcast %gt3A_58 : f32 to vector<256x1xf32>
    %gt3A_60 = arith.cmpf ogt, %broadcast_in_dim3A_44, %gt3A_59 : vector<256x1xf32>
    %select_n3A_61 = arith.select %gt3A_60, %broadcast_in_dim3A_54, %select_n3A : vector<256x1xi1>, vector<256x1xf32>
    %convert_element_type3A_62 = arith.fptosi %select_n3A_61 : vector<256x1xf32> to vector<256x1xi32>
    %add3A_63 = vector.broadcast %mul3A_46 : i32 to vector<256x1xi32>
    %add3A_64 = arith.addi %convert_element_type3A_62, %add3A_63 : vector<256x1xi32>
    %swap3A = arith.constant 0 : index
    %swap3A_65 = arith.constant 0 : index
    %swap3A_66 = arith.constant 0 : index
    %swap3A_67 = vector.load %arg4[%swap3A, %swap3A_65, %swap3A_66] : memref<1x256x32xi32, #tpu.memory_space<vmem>>, vector<1x256x1xi32>
    %swap3A_68 = vector.shape_cast %swap3A_67 : vector<1x256x1xi32> to vector<256x1xi32>
    %swap3A_69 = vector.shape_cast %add3A_64 : vector<256x1xi32> to vector<1x256x1xi32>
    tpu.vector_store %arg4[%swap3A, %swap3A_65, %swap3A_66], %swap3A_69 {strides = array<i32>} : memref<1x256x32xi32, #tpu.memory_space<vmem>>, vector<1x256x1xi32>,
    %le3A_70 = arith.constant 1.000000e+00 : f32
    %le3A_71 = vector.broadcast %le3A_70 : f32 to vector<256x32x128xf32>
    %le3A_72 = arith.cmpf ole, %add3A_41, %le3A_71 : vector<256x32x128xf32>
    %convert_element_type3A_73 = arith.extui %le3A_72 : vector<256x32x128xi1> to vector<256x32x128xi32>
    %convert_element_type3A_74 = arith.sitofp %convert_element_type3A_73 : vector<256x32x128xi32> to vector<256x32x128xf32>
    %reduce_sum3A_75 = arith.constant dense<0.000000e+00> : vector<256xf32>
    %reduce_sum3A_76 = vector.multi_reduction <add>, %convert_element_type3A_74, %reduce_sum3A_75 [1, 2] : vector<256x32x128xf32> to vector<256xf32>
    %broadcast_in_dim3A_77 = vector.shape_cast %reduce_sum3A_76 : vector<256xf32> to vector<256x1xf32>
    %gt3A_78 = arith.constant 1.000000e+00 : f32
    %gt3A_79 = vector.broadcast %gt3A_78 : f32 to vector<256x1xf32>
    %gt3A_80 = arith.cmpf ogt, %broadcast_in_dim3A_44, %gt3A_79 : vector<256x1xf32>
    %select_n3A_81 = arith.select %gt3A_80, %broadcast_in_dim3A_77, %select_n3A : vector<256x1xi1>, vector<256x1xf32>
    %convert_element_type3A_82 = arith.fptosi %select_n3A_81 : vector<256x1xf32> to vector<256x1xi32>
    %add3A_83 = vector.broadcast %mul3A_46 : i32 to vector<256x1xi32>
    %add3A_84 = arith.addi %convert_element_type3A_82, %add3A_83 : vector<256x1xi32>
    %swap3A_85 = arith.constant 0 : index
    %swap3A_86 = arith.constant 0 : index
    %swap3A_87 = arith.constant 1 : index
    %swap3A_88 = vector.load %arg4[%swap3A_85, %swap3A_86, %swap3A_87] : memref<1x256x32xi32, #tpu.memory_space<vmem>>, vector<1x256x1xi32>
    %swap3A_89 = vector.shape_cast %swap3A_88 : vector<1x256x1xi32> to vector<256x1xi32>
    %swap3A_90 = vector.shape_cast %add3A_84 : vector<256x1xi32> to vector<1x256x1xi32>
    tpu.vector_store %arg4[%swap3A_85, %swap3A_86, %swap3A_87], %swap3A_90 {strides = array<i32>} : memref<1x256x32xi32, #tpu.memory_space<vmem>>, vector<1x256x1xi32>,
    %le3A_91 = arith.constant 2.000000e+00 : f32
    %le3A_92 = vector.broadcast %le3A_91 : f32 to vector<256x32x128xf32>
    %le3A_93 = arith.cmpf ole, %add3A_41, %le3A_92 : vector<256x32x128xf32>
    %convert_element_type3A_94 = arith.extui %le3A_93 : vector<256x32x128xi1> to vector<256x32x128xi32>
    %convert_element_type3A_95 = arith.sitofp %convert_element_type3A_94 : vector<256x32x128xi32> to vector<256x32x128xf32>
    %reduce_sum3A_96 = arith.constant dense<0.000000e+00> : vector<256xf32>
    %reduce_sum3A_97 = vector.multi_reduction <add>, %convert_element_type3A_95, %reduce_sum3A_96 [1, 2] : vector<256x32x128xf32> to vector<256xf32>
    %broadcast_in_dim3A_98 = vector.shape_cast %reduce_sum3A_97 : vector<256xf32> to vector<256x1xf32>
    %gt3A_99 = arith.constant 2.000000e+00 : f32
    %gt3A_100 = vector.broadcast %gt3A_99 : f32 to vector<256x1xf32>
    %gt3A_101 = arith.cmpf ogt, %broadcast_in_dim3A_44, %gt3A_100 : vector<256x1xf32>
    %select_n3A_102 = arith.select %gt3A_101, %broadcast_in_dim3A_98, %select_n3A : vector<256x1xi1>, vector<256x1xf32>
    %convert_element_type3A_103 = arith.fptosi %select_n3A_102 : vector<256x1xf32> to vector<256x1xi32>
    %add3A_104 = vector.broadcast %mul3A_46 : i32 to vector<256x1xi32>
    %add3A_105 = arith.addi %convert_element_type3A_103, %add3A_104 : vector<256x1xi32>
    %swap3A_106 = arith.constant 0 : index
    %swap3A_107 = arith.constant 0 : index
    %swap3A_108 = arith.constant 2 : index
    %swap3A_109 = vector.load %arg4[%swap3A_106, %swap3A_107, %swap3A_108] : memref<1x256x32xi32, #tpu.memory_space<vmem>>, vector<1x256x1xi32>
    %swap3A_110 = vector.shape_cast %swap3A_109 : vector<1x256x1xi32> to vector<256x1xi32>
    %swap3A_111 = vector.shape_cast %add3A_105 : vector<256x1xi32> to vector<1x256x1xi32>
    tpu.vector_store %arg4[%swap3A_106, %swap3A_107, %swap3A_108], %swap3A_111 {strides = array<i32>} : memref<1x256x32xi32, #tpu.memory_space<vmem>>, vector<1x256x1xi32>,
    %le3A_112 = arith.constant 3.000000e+00 : f32
    %le3A_113 = vector.broadcast %le3A_112 : f32 to vector<256x32x128xf32>
    %le3A_114 = arith.cmpf ole, %add3A_41, %le3A_113 : vector<256x32x128xf32>
    %convert_element_type3A_115 = arith.extui %le3A_114 : vector<256x32x128xi1> to vector<256x32x128xi32>
    %convert_element_type3A_116 = arith.sitofp %convert_element_type3A_115 : vector<256x32x128xi32> to vector<256x32x128xf32>
    %reduce_sum3A_117 = arith.constant dense<0.000000e+00> : vector<256xf32>
    %reduce_sum3A_118 = vector.multi_reduction <add>, %convert_element_type3A_116, %reduce_sum3A_117 [1, 2] : vector<256x32x128xf32> to vector<256xf32>
    %broadcast_in_dim3A_119 = vector.shape_cast %reduce_sum3A_118 : vector<256xf32> to vector<256x1xf32>
    %gt3A_120 = arith.constant 3.000000e+00 : f32
    %gt3A_121 = vector.broadcast %gt3A_120 : f32 to vector<256x1xf32>
    %gt3A_122 = arith.cmpf ogt, %broadcast_in_dim3A_44, %gt3A_121 : vector<256x1xf32>
    %select_n3A_123 = arith.select %gt3A_122, %broadcast_in_dim3A_119, %select_n3A : vector<256x1xi1>, vector<256x1xf32>
    %convert_element_type3A_124 = arith.fptosi %select_n3A_123 : vector<256x1xf32> to vector<256x1xi32>
    %add3A_125 = vector.broadcast %mul3A_46 : i32 to vector<256x1xi32>
    %add3A_126 = arith.addi %convert_element_type3A_124, %add3A_125 : vector<256x1xi32>
    %swap3A_127 = arith.constant 0 : index
    %swap3A_128 = arith.constant 0 : index
    %swap3A_129 = arith.constant 3 : index
    %swap3A_130 = vector.load %arg4[%swap3A_127, %swap3A_128, %swap3A_129] : memref<1x256x32xi32, #tpu.memory_space<vmem>>, vector<1x256x1xi32>
    %swap3A_131 = vector.shape_cast %swap3A_130 : vector<1x256x1xi32> to vector<256x1xi32>
    %swap3A_132 = vector.shape_cast %add3A_126 : vector<256x1xi32> to vector<1x256x1xi32>
    tpu.vector_store %arg4[%swap3A_127, %swap3A_128, %swap3A_129], %swap3A_132 {strides = array<i32>} : memref<1x256x32xi32, #tpu.memory_space<vmem>>, vector<1x256x1xi32>,
    %le3A_133 = arith.constant 4.000000e+00 : f32
    %le3A_134 = vector.broadcast %le3A_133 : f32 to vector<256x32x128xf32>
    %le3A_135 = arith.cmpf ole, %add3A_41, %le3A_134 : vector<256x32x128xf32>
    %convert_element_type3A_136 = arith.extui %le3A_135 : vector<256x32x128xi1> to vector<256x32x128xi32>
    %convert_element_type3A_137 = arith.sitofp %convert_element_type3A_136 : vector<256x32x128xi32> to vector<256x32x128xf32>
    %reduce_sum3A_138 = arith.constant dense<0.000000e+00> : vector<256xf32>
    %reduce_sum3A_139 = vector.multi_reduction <add>, %convert_element_type3A_137, %reduce_sum3A_138 [1, 2] : vector<256x32x128xf32> to vector<256xf32>
    %broadcast_in_dim3A_140 = vector.shape_cast %reduce_sum3A_139 : vector<256xf32> to vector<256x1xf32>
    %gt3A_141 = arith.constant 4.000000e+00 : f32
    %gt3A_142 = vector.broadcast %gt3A_141 : f32 to vector<256x1xf32>
    %gt3A_143 = arith.cmpf ogt, %broadcast_in_dim3A_44, %gt3A_142 : vector<256x1xf32>
    %select_n3A_144 = arith.select %gt3A_143, %broadcast_in_dim3A_140, %select_n3A : vector<256x1xi1>, vector<256x1xf32>
    %convert_element_type3A_145 = arith.fptosi %select_n3A_144 : vector<256x1xf32> to vector<256x1xi32>
    %add3A_146 = vector.broadcast %mul3A_46 : i32 to vector<256x1xi32>
    %add3A_147 = arith.addi %convert_element_type3A_145, %add3A_146 : vector<256x1xi32>
    %swap3A_148 = arith.constant 0 : index
    %swap3A_149 = arith.constant 0 : index
    %swap3A_150 = arith.constant 4 : index
    %swap3A_151 = vector.load %arg4[%swap3A_148, %swap3A_149, %swap3A_150] : memref<1x256x32xi32, #tpu.memory_space<vmem>>, vector<1x256x1xi32>
    %swap3A_152 = vector.shape_cast %swap3A_151 : vector<1x256x1xi32> to vector<256x1xi32>
    %swap3A_153 = vector.shape_cast %add3A_147 : vector<256x1xi32> to vector<1x256x1xi32>
    tpu.vector_store %arg4[%swap3A_148, %swap3A_149, %swap3A_150], %swap3A_153 {strides = array<i32>} : memref<1x256x32xi32, #tpu.memory_space<vmem>>, vector<1x256x1xi32>,
    %le3A_154 = arith.constant 5.000000e+00 : f32
    %le3A_155 = vector.broadcast %le3A_154 : f32 to vector<256x32x128xf32>
    %le3A_156 = arith.cmpf ole, %add3A_41, %le3A_155 : vector<256x32x128xf32>
    %convert_element_type3A_157 = arith.extui %le3A_156 : vector<256x32x128xi1> to vector<256x32x128xi32>
    %convert_element_type3A_158 = arith.sitofp %convert_element_type3A_157 : vector<256x32x128xi32> to vector<256x32x128xf32>
    %reduce_sum3A_159 = arith.constant dense<0.000000e+00> : vector<256xf32>
    %reduce_sum3A_160 = vector.multi_reduction <add>, %convert_element_type3A_158, %reduce_sum3A_159 [1, 2] : vector<256x32x128xf32> to vector<256xf32>
    %broadcast_in_dim3A_161 = vector.shape_cast %reduce_sum3A_160 : vector<256xf32> to vector<256x1xf32>
    %gt3A_162 = arith.constant 5.000000e+00 : f32
    %gt3A_163 = vector.broadcast %gt3A_162 : f32 to vector<256x1xf32>
    %gt3A_164 = arith.cmpf ogt, %broadcast_in_dim3A_44, %gt3A_163 : vector<256x1xf32>
    %select_n3A_165 = arith.select %gt3A_164, %broadcast_in_dim3A_161, %select_n3A : vector<256x1xi1>, vector<256x1xf32>
    %convert_element_type3A_166 = arith.fptosi %select_n3A_165 : vector<256x1xf32> to vector<256x1xi32>
    %add3A_167 = vector.broadcast %mul3A_46 : i32 to vector<256x1xi32>
    %add3A_168 = arith.addi %convert_element_type3A_166, %add3A_167 : vector<256x1xi32>
    %swap3A_169 = arith.constant 0 : index
    %swap3A_170 = arith.constant 0 : index
    %swap3A_171 = arith.constant 5 : index
    %swap3A_172 = vector.load %arg4[%swap3A_169, %swap3A_170, %swap3A_171] : memref<1x256x32xi32, #tpu.memory_space<vmem>>, vector<1x256x1xi32>
    %swap3A_173 = vector.shape_cast %swap3A_172 : vector<1x256x1xi32> to vector<256x1xi32>
    %swap3A_174 = vector.shape_cast %add3A_168 : vector<256x1xi32> to vector<1x256x1xi32>
    tpu.vector_store %arg4[%swap3A_169, %swap3A_170, %swap3A_171], %swap3A_174 {strides = array<i32>} : memref<1x256x32xi32, #tpu.memory_space<vmem>>, vector<1x256x1xi32>,
    %le3A_175 = arith.constant 6.000000e+00 : f32
    %le3A_176 = vector.broadcast %le3A_175 : f32 to vector<256x32x128xf32>
    %le3A_177 = arith.cmpf ole, %add3A_41, %le3A_176 : vector<256x32x128xf32>
    %convert_element_type3A_178 = arith.extui %le3A_177 : vector<256x32x128xi1> to vector<256x32x128xi32>
    %convert_element_type3A_179 = arith.sitofp %convert_element_type3A_178 : vector<256x32x128xi32> to vector<256x32x128xf32>
    %reduce_sum3A_180 = arith.constant dense<0.000000e+00> : vector<256xf32>
    %reduce_sum3A_181 = vector.multi_reduction <add>, %convert_element_type3A_179, %reduce_sum3A_180 [1, 2] : vector<256x32x128xf32> to vector<256xf32>
    %broadcast_in_dim3A_182 = vector.shape_cast %reduce_sum3A_181 : vector<256xf32> to vector<256x1xf32>
    %gt3A_183 = arith.constant 6.000000e+00 : f32
    %gt3A_184 = vector.broadcast %gt3A_183 : f32 to vector<256x1xf32>
    %gt3A_185 = arith.cmpf ogt, %broadcast_in_dim3A_44, %gt3A_184 : vector<256x1xf32>
    %select_n3A_186 = arith.select %gt3A_185, %broadcast_in_dim3A_182, %select_n3A : vector<256x1xi1>, vector<256x1xf32>
    %convert_element_type3A_187 = arith.fptosi %select_n3A_186 : vector<256x1xf32> to vector<256x1xi32>
    %add3A_188 = vector.broadcast %mul3A_46 : i32 to vector<256x1xi32>
    %add3A_189 = arith.addi %convert_element_type3A_187, %add3A_188 : vector<256x1xi32>
    %swap3A_190 = arith.constant 0 : index
    %swap3A_191 = arith.constant 0 : index
    %swap3A_192 = arith.constant 6 : index
    %swap3A_193 = vector.load %arg4[%swap3A_190, %swap3A_191, %swap3A_192] : memref<1x256x32xi32, #tpu.memory_space<vmem>>, vector<1x256x1xi32>
    %swap3A_194 = vector.shape_cast %swap3A_193 : vector<1x256x1xi32> to vector<256x1xi32>
    %swap3A_195 = vector.shape_cast %add3A_189 : vector<256x1xi32> to vector<1x256x1xi32>
    tpu.vector_store %arg4[%swap3A_190, %swap3A_191, %swap3A_192], %swap3A_195 {strides = array<i32>} : memref<1x256x32xi32, #tpu.memory_space<vmem>>, vector<1x256x1xi32>,
    %le3A_196 = arith.constant 7.000000e+00 : f32
    %le3A_197 = vector.broadcast %le3A_196 : f32 to vector<256x32x128xf32>
    %le3A_198 = arith.cmpf ole, %add3A_41, %le3A_197 : vector<256x32x128xf32>
    %convert_element_type3A_199 = arith.extui %le3A_198 : vector<256x32x128xi1> to vector<256x32x128xi32>
    %convert_element_type3A_200 = arith.sitofp %convert_element_type3A_199 : vector<256x32x128xi32> to vector<256x32x128xf32>
    %reduce_sum3A_201 = arith.constant dense<0.000000e+00> : vector<256xf32>
    %reduce_sum3A_202 = vector.multi_reduction <add>, %convert_element_type3A_200, %reduce_sum3A_201 [1, 2] : vector<256x32x128xf32> to vector<256xf32>
    %broadcast_in_dim3A_203 = vector.shape_cast %reduce_sum3A_202 : vector<256xf32> to vector<256x1xf32>
    %gt3A_204 = arith.constant 7.000000e+00 : f32
    %gt3A_205 = vector.broadcast %gt3A_204 : f32 to vector<256x1xf32>
    %gt3A_206 = arith.cmpf ogt, %broadcast_in_dim3A_44, %gt3A_205 : vector<256x1xf32>
    %select_n3A_207 = arith.select %gt3A_206, %broadcast_in_dim3A_203, %select_n3A : vector<256x1xi1>, vector<256x1xf32>
    %convert_element_type3A_208 = arith.fptosi %select_n3A_207 : vector<256x1xf32> to vector<256x1xi32>
    %add3A_209 = vector.broadcast %mul3A_46 : i32 to vector<256x1xi32>
    %add3A_210 = arith.addi %convert_element_type3A_208, %add3A_209 : vector<256x1xi32>
    %swap3A_211 = arith.constant 0 : index
    %swap3A_212 = arith.constant 0 : index
    %swap3A_213 = arith.constant 7 : index
    %swap3A_214 = vector.load %arg4[%swap3A_211, %swap3A_212, %swap3A_213] : memref<1x256x32xi32, #tpu.memory_space<vmem>>, vector<1x256x1xi32>
    %swap3A_215 = vector.shape_cast %swap3A_214 : vector<1x256x1xi32> to vector<256x1xi32>
    %swap3A_216 = vector.shape_cast %add3A_210 : vector<256x1xi32> to vector<1x256x1xi32>
    tpu.vector_store %arg4[%swap3A_211, %swap3A_212, %swap3A_213], %swap3A_216 {strides = array<i32>} : memref<1x256x32xi32, #tpu.memory_space<vmem>>, vector<1x256x1xi32>,
    %le3A_217 = arith.constant 8.000000e+00 : f32
    %le3A_218 = vector.broadcast %le3A_217 : f32 to vector<256x32x128xf32>
    %le3A_219 = arith.cmpf ole, %add3A_41, %le3A_218 : vector<256x32x128xf32>
    %convert_element_type3A_220 = arith.extui %le3A_219 : vector<256x32x128xi1> to vector<256x32x128xi32>
    %convert_element_type3A_221 = arith.sitofp %convert_element_type3A_220 : vector<256x32x128xi32> to vector<256x32x128xf32>
    %reduce_sum3A_222 = arith.constant dense<0.000000e+00> : vector<256xf32>
    %reduce_sum3A_223 = vector.multi_reduction <add>, %convert_element_type3A_221, %reduce_sum3A_222 [1, 2] : vector<256x32x128xf32> to vector<256xf32>
    %broadcast_in_dim3A_224 = vector.shape_cast %reduce_sum3A_223 : vector<256xf32> to vector<256x1xf32>
    %gt3A_225 = arith.constant 8.000000e+00 : f32
    %gt3A_226 = vector.broadcast %gt3A_225 : f32 to vector<256x1xf32>
    %gt3A_227 = arith.cmpf ogt, %broadcast_in_dim3A_44, %gt3A_226 : vector<256x1xf32>
    %select_n3A_228 = arith.select %gt3A_227, %broadcast_in_dim3A_224, %select_n3A : vector<256x1xi1>, vector<256x1xf32>
    %convert_element_type3A_229 = arith.fptosi %select_n3A_228 : vector<256x1xf32> to vector<256x1xi32>
    %add3A_230 = vector.broadcast %mul3A_46 : i32 to vector<256x1xi32>
    %add3A_231 = arith.addi %convert_element_type3A_229, %add3A_230 : vector<256x1xi32>
    %swap3A_232 = arith.constant 0 : index
    %swap3A_233 = arith.constant 0 : index
    %swap3A_234 = arith.constant 8 : index
    %swap3A_235 = vector.load %arg4[%swap3A_232, %swap3A_233, %swap3A_234] : memref<1x256x32xi32, #tpu.memory_space<vmem>>, vector<1x256x1xi32>
    %swap3A_236 = vector.shape_cast %swap3A_235 : vector<1x256x1xi32> to vector<256x1xi32>
    %swap3A_237 = vector.shape_cast %add3A_231 : vector<256x1xi32> to vector<1x256x1xi32>
    tpu.vector_store %arg4[%swap3A_232, %swap3A_233, %swap3A_234], %swap3A_237 {strides = array<i32>} : memref<1x256x32xi32, #tpu.memory_space<vmem>>, vector<1x256x1xi32>,
    %le3A_238 = arith.constant 9.000000e+00 : f32
    %le3A_239 = vector.broadcast %le3A_238 : f32 to vector<256x32x128xf32>
    %le3A_240 = arith.cmpf ole, %add3A_41, %le3A_239 : vector<256x32x128xf32>
    %convert_element_type3A_241 = arith.extui %le3A_240 : vector<256x32x128xi1> to vector<256x32x128xi32>
    %convert_element_type3A_242 = arith.sitofp %convert_element_type3A_241 : vector<256x32x128xi32> to vector<256x32x128xf32>
    %reduce_sum3A_243 = arith.constant dense<0.000000e+00> : vector<256xf32>
    %reduce_sum3A_244 = vector.multi_reduction <add>, %convert_element_type3A_242, %reduce_sum3A_243 [1, 2] : vector<256x32x128xf32> to vector<256xf32>
    %broadcast_in_dim3A_245 = vector.shape_cast %reduce_sum3A_244 : vector<256xf32> to vector<256x1xf32>
    %gt3A_246 = arith.constant 9.000000e+00 : f32
    %gt3A_247 = vector.broadcast %gt3A_246 : f32 to vector<256x1xf32>
    %gt3A_248 = arith.cmpf ogt, %broadcast_in_dim3A_44, %gt3A_247 : vector<256x1xf32>
    %select_n3A_249 = arith.select %gt3A_248, %broadcast_in_dim3A_245, %select_n3A : vector<256x1xi1>, vector<256x1xf32>
    %convert_element_type3A_250 = arith.fptosi %select_n3A_249 : vector<256x1xf32> to vector<256x1xi32>
    %add3A_251 = vector.broadcast %mul3A_46 : i32 to vector<256x1xi32>
    %add3A_252 = arith.addi %convert_element_type3A_250, %add3A_251 : vector<256x1xi32>
    %swap3A_253 = arith.constant 0 : index
    %swap3A_254 = arith.constant 0 : index
    %swap3A_255 = arith.constant 9 : index
    %swap3A_256 = vector.load %arg4[%swap3A_253, %swap3A_254, %swap3A_255] : memref<1x256x32xi32, #tpu.memory_space<vmem>>, vector<1x256x1xi32>
    %swap3A_257 = vector.shape_cast %swap3A_256 : vector<1x256x1xi32> to vector<256x1xi32>
    %swap3A_258 = vector.shape_cast %add3A_252 : vector<256x1xi32> to vector<1x256x1xi32>
    tpu.vector_store %arg4[%swap3A_253, %swap3A_254, %swap3A_255], %swap3A_258 {strides = array<i32>} : memref<1x256x32xi32, #tpu.memory_space<vmem>>, vector<1x256x1xi32>,
    %le3A_259 = arith.constant 1.000000e+01 : f32
    %le3A_260 = vector.broadcast %le3A_259 : f32 to vector<256x32x128xf32>
    %le3A_261 = arith.cmpf ole, %add3A_41, %le3A_260 : vector<256x32x128xf32>
    %convert_element_type3A_262 = arith.extui %le3A_261 : vector<256x32x128xi1> to vector<256x32x128xi32>
    %convert_element_type3A_263 = arith.sitofp %convert_element_type3A_262 : vector<256x32x128xi32> to vector<256x32x128xf32>
    %reduce_sum3A_264 = arith.constant dense<0.000000e+00> : vector<256xf32>
    %reduce_sum3A_265 = vector.multi_reduction <add>, %convert_element_type3A_263, %reduce_sum3A_264 [1, 2] : vector<256x32x128xf32> to vector<256xf32>
    %broadcast_in_dim3A_266 = vector.shape_cast %reduce_sum3A_265 : vector<256xf32> to vector<256x1xf32>
    %gt3A_267 = arith.constant 1.000000e+01 : f32
    %gt3A_268 = vector.broadcast %gt3A_267 : f32 to vector<256x1xf32>
    %gt3A_269 = arith.cmpf ogt, %broadcast_in_dim3A_44, %gt3A_268 : vector<256x1xf32>
    %select_n3A_270 = arith.select %gt3A_269, %broadcast_in_dim3A_266, %select_n3A : vector<256x1xi1>, vector<256x1xf32>
    %convert_element_type3A_271 = arith.fptosi %select_n3A_270 : vector<256x1xf32> to vector<256x1xi32>
    %add3A_272 = vector.broadcast %mul3A_46 : i32 to vector<256x1xi32>
    %add3A_273 = arith.addi %convert_element_type3A_271, %add3A_272 : vector<256x1xi32>
    %swap3A_274 = arith.constant 0 : index
    %swap3A_275 = arith.constant 0 : index
    %swap3A_276 = arith.constant 10 : index
    %swap3A_277 = vector.load %arg4[%swap3A_274, %swap3A_275, %swap3A_276] : memref<1x256x32xi32, #tpu.memory_space<vmem>>, vector<1x256x1xi32>
    %swap3A_278 = vector.shape_cast %swap3A_277 : vector<1x256x1xi32> to vector<256x1xi32>
    %swap3A_279 = vector.shape_cast %add3A_273 : vector<256x1xi32> to vector<1x256x1xi32>
    tpu.vector_store %arg4[%swap3A_274, %swap3A_275, %swap3A_276], %swap3A_279 {strides = array<i32>} : memref<1x256x32xi32, #tpu.memory_space<vmem>>, vector<1x256x1xi32>,
    %le3A_280 = arith.constant 1.100000e+01 : f32
    %le3A_281 = vector.broadcast %le3A_280 : f32 to vector<256x32x128xf32>
    %le3A_282 = arith.cmpf ole, %add3A_41, %le3A_281 : vector<256x32x128xf32>
    %convert_element_type3A_283 = arith.extui %le3A_282 : vector<256x32x128xi1> to vector<256x32x128xi32>
    %convert_element_type3A_284 = arith.sitofp %convert_element_type3A_283 : vector<256x32x128xi32> to vector<256x32x128xf32>
    %reduce_sum3A_285 = arith.constant dense<0.000000e+00> : vector<256xf32>
    %reduce_sum3A_286 = vector.multi_reduction <add>, %convert_element_type3A_284, %reduce_sum3A_285 [1, 2] : vector<256x32x128xf32> to vector<256xf32>
    %broadcast_in_dim3A_287 = vector.shape_cast %reduce_sum3A_286 : vector<256xf32> to vector<256x1xf32>
    %gt3A_288 = arith.constant 1.100000e+01 : f32
    %gt3A_289 = vector.broadcast %gt3A_288 : f32 to vector<256x1xf32>
    %gt3A_290 = arith.cmpf ogt, %broadcast_in_dim3A_44, %gt3A_289 : vector<256x1xf32>
    %select_n3A_291 = arith.select %gt3A_290, %broadcast_in_dim3A_287, %select_n3A : vector<256x1xi1>, vector<256x1xf32>
    %convert_element_type3A_292 = arith.fptosi %select_n3A_291 : vector<256x1xf32> to vector<256x1xi32>
    %add3A_293 = vector.broadcast %mul3A_46 : i32 to vector<256x1xi32>
    %add3A_294 = arith.addi %convert_element_type3A_292, %add3A_293 : vector<256x1xi32>
    %swap3A_295 = arith.constant 0 : index
    %swap3A_296 = arith.constant 0 : index
    %swap3A_297 = arith.constant 11 : index
    %swap3A_298 = vector.load %arg4[%swap3A_295, %swap3A_296, %swap3A_297] : memref<1x256x32xi32, #tpu.memory_space<vmem>>, vector<1x256x1xi32>
    %swap3A_299 = vector.shape_cast %swap3A_298 : vector<1x256x1xi32> to vector<256x1xi32>
    %swap3A_300 = vector.shape_cast %add3A_294 : vector<256x1xi32> to vector<1x256x1xi32>
    tpu.vector_store %arg4[%swap3A_295, %swap3A_296, %swap3A_297], %swap3A_300 {strides = array<i32>} : memref<1x256x32xi32, #tpu.memory_space<vmem>>, vector<1x256x1xi32>,
    %le3A_301 = arith.constant 1.200000e+01 : f32
    %le3A_302 = vector.broadcast %le3A_301 : f32 to vector<256x32x128xf32>
    %le3A_303 = arith.cmpf ole, %add3A_41, %le3A_302 : vector<256x32x128xf32>
    %convert_element_type3A_304 = arith.extui %le3A_303 : vector<256x32x128xi1> to vector<256x32x128xi32>
    %convert_element_type3A_305 = arith.sitofp %convert_element_type3A_304 : vector<256x32x128xi32> to vector<256x32x128xf32>
    %reduce_sum3A_306 = arith.constant dense<0.000000e+00> : vector<256xf32>
    %reduce_sum3A_307 = vector.multi_reduction <add>, %convert_element_type3A_305, %reduce_sum3A_306 [1, 2] : vector<256x32x128xf32> to vector<256xf32>
    %broadcast_in_dim3A_308 = vector.shape_cast %reduce_sum3A_307 : vector<256xf32> to vector<256x1xf32>
    %gt3A_309 = arith.constant 1.200000e+01 : f32
    %gt3A_310 = vector.broadcast %gt3A_309 : f32 to vector<256x1xf32>
    %gt3A_311 = arith.cmpf ogt, %broadcast_in_dim3A_44, %gt3A_310 : vector<256x1xf32>
    %select_n3A_312 = arith.select %gt3A_311, %broadcast_in_dim3A_308, %select_n3A : vector<256x1xi1>, vector<256x1xf32>
    %convert_element_type3A_313 = arith.fptosi %select_n3A_312 : vector<256x1xf32> to vector<256x1xi32>
    %add3A_314 = vector.broadcast %mul3A_46 : i32 to vector<256x1xi32>
    %add3A_315 = arith.addi %convert_element_type3A_313, %add3A_314 : vector<256x1xi32>
    %swap3A_316 = arith.constant 0 : index
    %swap3A_317 = arith.constant 0 : index
    %swap3A_318 = arith.constant 12 : index
    %swap3A_319 = vector.load %arg4[%swap3A_316, %swap3A_317, %swap3A_318] : memref<1x256x32xi32, #tpu.memory_space<vmem>>, vector<1x256x1xi32>
    %swap3A_320 = vector.shape_cast %swap3A_319 : vector<1x256x1xi32> to vector<256x1xi32>
    %swap3A_321 = vector.shape_cast %add3A_315 : vector<256x1xi32> to vector<1x256x1xi32>
    tpu.vector_store %arg4[%swap3A_316, %swap3A_317, %swap3A_318], %swap3A_321 {strides = array<i32>} : memref<1x256x32xi32, #tpu.memory_space<vmem>>, vector<1x256x1xi32>,
    %le3A_322 = arith.constant 1.300000e+01 : f32
    %le3A_323 = vector.broadcast %le3A_322 : f32 to vector<256x32x128xf32>
    %le3A_324 = arith.cmpf ole, %add3A_41, %le3A_323 : vector<256x32x128xf32>
    %convert_element_type3A_325 = arith.extui %le3A_324 : vector<256x32x128xi1> to vector<256x32x128xi32>
    %convert_element_type3A_326 = arith.sitofp %convert_element_type3A_325 : vector<256x32x128xi32> to vector<256x32x128xf32>
    %reduce_sum3A_327 = arith.constant dense<0.000000e+00> : vector<256xf32>
    %reduce_sum3A_328 = vector.multi_reduction <add>, %convert_element_type3A_326, %reduce_sum3A_327 [1, 2] : vector<256x32x128xf32> to vector<256xf32>
    %broadcast_in_dim3A_329 = vector.shape_cast %reduce_sum3A_328 : vector<256xf32> to vector<256x1xf32>
    %gt3A_330 = arith.constant 1.300000e+01 : f32
    %gt3A_331 = vector.broadcast %gt3A_330 : f32 to vector<256x1xf32>
    %gt3A_332 = arith.cmpf ogt, %broadcast_in_dim3A_44, %gt3A_331 : vector<256x1xf32>
    %select_n3A_333 = arith.select %gt3A_332, %broadcast_in_dim3A_329, %select_n3A : vector<256x1xi1>, vector<256x1xf32>
    %convert_element_type3A_334 = arith.fptosi %select_n3A_333 : vector<256x1xf32> to vector<256x1xi32>
    %add3A_335 = vector.broadcast %mul3A_46 : i32 to vector<256x1xi32>
    %add3A_336 = arith.addi %convert_element_type3A_334, %add3A_335 : vector<256x1xi32>
    %swap3A_337 = arith.constant 0 : index
    %swap3A_338 = arith.constant 0 : index
    %swap3A_339 = arith.constant 13 : index
    %swap3A_340 = vector.load %arg4[%swap3A_337, %swap3A_338, %swap3A_339] : memref<1x256x32xi32, #tpu.memory_space<vmem>>, vector<1x256x1xi32>
    %swap3A_341 = vector.shape_cast %swap3A_340 : vector<1x256x1xi32> to vector<256x1xi32>
    %swap3A_342 = vector.shape_cast %add3A_336 : vector<256x1xi32> to vector<1x256x1xi32>
    tpu.vector_store %arg4[%swap3A_337, %swap3A_338, %swap3A_339], %swap3A_342 {strides = array<i32>} : memref<1x256x32xi32, #tpu.memory_space<vmem>>, vector<1x256x1xi32>,
    %le3A_343 = arith.constant 1.400000e+01 : f32
    %le3A_344 = vector.broadcast %le3A_343 : f32 to vector<256x32x128xf32>
    %le3A_345 = arith.cmpf ole, %add3A_41, %le3A_344 : vector<256x32x128xf32>
    %convert_element_type3A_346 = arith.extui %le3A_345 : vector<256x32x128xi1> to vector<256x32x128xi32>
    %convert_element_type3A_347 = arith.sitofp %convert_element_type3A_346 : vector<256x32x128xi32> to vector<256x32x128xf32>
    %reduce_sum3A_348 = arith.constant dense<0.000000e+00> : vector<256xf32>
    %reduce_sum3A_349 = vector.multi_reduction <add>, %convert_element_type3A_347, %reduce_sum3A_348 [1, 2] : vector<256x32x128xf32> to vector<256xf32>
    %broadcast_in_dim3A_350 = vector.shape_cast %reduce_sum3A_349 : vector<256xf32> to vector<256x1xf32>
    %gt3A_351 = arith.constant 1.400000e+01 : f32
    %gt3A_352 = vector.broadcast %gt3A_351 : f32 to vector<256x1xf32>
    %gt3A_353 = arith.cmpf ogt, %broadcast_in_dim3A_44, %gt3A_352 : vector<256x1xf32>
    %select_n3A_354 = arith.select %gt3A_353, %broadcast_in_dim3A_350, %select_n3A : vector<256x1xi1>, vector<256x1xf32>
    %convert_element_type3A_355 = arith.fptosi %select_n3A_354 : vector<256x1xf32> to vector<256x1xi32>
    %add3A_356 = vector.broadcast %mul3A_46 : i32 to vector<256x1xi32>
    %add3A_357 = arith.addi %convert_element_type3A_355, %add3A_356 : vector<256x1xi32>
    %swap3A_358 = arith.constant 0 : index
    %swap3A_359 = arith.constant 0 : index
    %swap3A_360 = arith.constant 14 : index
    %swap3A_361 = vector.load %arg4[%swap3A_358, %swap3A_359, %swap3A_360] : memref<1x256x32xi32, #tpu.memory_space<vmem>>, vector<1x256x1xi32>
    %swap3A_362 = vector.shape_cast %swap3A_361 : vector<1x256x1xi32> to vector<256x1xi32>
    %swap3A_363 = vector.shape_cast %add3A_357 : vector<256x1xi32> to vector<1x256x1xi32>
    tpu.vector_store %arg4[%swap3A_358, %swap3A_359, %swap3A_360], %swap3A_363 {strides = array<i32>} : memref<1x256x32xi32, #tpu.memory_space<vmem>>, vector<1x256x1xi32>,
    %le3A_364 = arith.constant 1.500000e+01 : f32
    %le3A_365 = vector.broadcast %le3A_364 : f32 to vector<256x32x128xf32>
    %le3A_366 = arith.cmpf ole, %add3A_41, %le3A_365 : vector<256x32x128xf32>
    %convert_element_type3A_367 = arith.extui %le3A_366 : vector<256x32x128xi1> to vector<256x32x128xi32>
    %convert_element_type3A_368 = arith.sitofp %convert_element_type3A_367 : vector<256x32x128xi32> to vector<256x32x128xf32>
    %reduce_sum3A_369 = arith.constant dense<0.000000e+00> : vector<256xf32>
    %reduce_sum3A_370 = vector.multi_reduction <add>, %convert_element_type3A_368, %reduce_sum3A_369 [1, 2] : vector<256x32x128xf32> to vector<256xf32>
    %broadcast_in_dim3A_371 = vector.shape_cast %reduce_sum3A_370 : vector<256xf32> to vector<256x1xf32>
    %gt3A_372 = arith.constant 1.500000e+01 : f32
    %gt3A_373 = vector.broadcast %gt3A_372 : f32 to vector<256x1xf32>
    %gt3A_374 = arith.cmpf ogt, %broadcast_in_dim3A_44, %gt3A_373 : vector<256x1xf32>
    %select_n3A_375 = arith.select %gt3A_374, %broadcast_in_dim3A_371, %select_n3A : vector<256x1xi1>, vector<256x1xf32>
    %convert_element_type3A_376 = arith.fptosi %select_n3A_375 : vector<256x1xf32> to vector<256x1xi32>
    %add3A_377 = vector.broadcast %mul3A_46 : i32 to vector<256x1xi32>
    %add3A_378 = arith.addi %convert_element_type3A_376, %add3A_377 : vector<256x1xi32>
    %swap3A_379 = arith.constant 0 : index
    %swap3A_380 = arith.constant 0 : index
    %swap3A_381 = arith.constant 15 : index
    %swap3A_382 = vector.load %arg4[%swap3A_379, %swap3A_380, %swap3A_381] : memref<1x256x32xi32, #tpu.memory_space<vmem>>, vector<1x256x1xi32>
    %swap3A_383 = vector.shape_cast %swap3A_382 : vector<1x256x1xi32> to vector<256x1xi32>
    %swap3A_384 = vector.shape_cast %add3A_378 : vector<256x1xi32> to vector<1x256x1xi32>
    tpu.vector_store %arg4[%swap3A_379, %swap3A_380, %swap3A_381], %swap3A_384 {strides = array<i32>} : memref<1x256x32xi32, #tpu.memory_space<vmem>>, vector<1x256x1xi32>,
    %le3A_385 = arith.constant 1.600000e+01 : f32
    %le3A_386 = vector.broadcast %le3A_385 : f32 to vector<256x32x128xf32>
    %le3A_387 = arith.cmpf ole, %add3A_41, %le3A_386 : vector<256x32x128xf32>
    %convert_element_type3A_388 = arith.extui %le3A_387 : vector<256x32x128xi1> to vector<256x32x128xi32>
    %convert_element_type3A_389 = arith.sitofp %convert_element_type3A_388 : vector<256x32x128xi32> to vector<256x32x128xf32>
    %reduce_sum3A_390 = arith.constant dense<0.000000e+00> : vector<256xf32>
    %reduce_sum3A_391 = vector.multi_reduction <add>, %convert_element_type3A_389, %reduce_sum3A_390 [1, 2] : vector<256x32x128xf32> to vector<256xf32>
    %broadcast_in_dim3A_392 = vector.shape_cast %reduce_sum3A_391 : vector<256xf32> to vector<256x1xf32>
    %gt3A_393 = arith.constant 1.600000e+01 : f32
    %gt3A_394 = vector.broadcast %gt3A_393 : f32 to vector<256x1xf32>
    %gt3A_395 = arith.cmpf ogt, %broadcast_in_dim3A_44, %gt3A_394 : vector<256x1xf32>
    %select_n3A_396 = arith.select %gt3A_395, %broadcast_in_dim3A_392, %select_n3A : vector<256x1xi1>, vector<256x1xf32>
    %convert_element_type3A_397 = arith.fptosi %select_n3A_396 : vector<256x1xf32> to vector<256x1xi32>
    %add3A_398 = vector.broadcast %mul3A_46 : i32 to vector<256x1xi32>
    %add3A_399 = arith.addi %convert_element_type3A_397, %add3A_398 : vector<256x1xi32>
    %swap3A_400 = arith.constant 0 : index
    %swap3A_401 = arith.constant 0 : index
    %swap3A_402 = arith.constant 16 : index
    %swap3A_403 = vector.load %arg4[%swap3A_400, %swap3A_401, %swap3A_402] : memref<1x256x32xi32, #tpu.memory_space<vmem>>, vector<1x256x1xi32>
    %swap3A_404 = vector.shape_cast %swap3A_403 : vector<1x256x1xi32> to vector<256x1xi32>
    %swap3A_405 = vector.shape_cast %add3A_399 : vector<256x1xi32> to vector<1x256x1xi32>
    tpu.vector_store %arg4[%swap3A_400, %swap3A_401, %swap3A_402], %swap3A_405 {strides = array<i32>} : memref<1x256x32xi32, #tpu.memory_space<vmem>>, vector<1x256x1xi32>,
    %le3A_406 = arith.constant 1.700000e+01 : f32
    %le3A_407 = vector.broadcast %le3A_406 : f32 to vector<256x32x128xf32>
    %le3A_408 = arith.cmpf ole, %add3A_41, %le3A_407 : vector<256x32x128xf32>
    %convert_element_type3A_409 = arith.extui %le3A_408 : vector<256x32x128xi1> to vector<256x32x128xi32>
    %convert_element_type3A_410 = arith.sitofp %convert_element_type3A_409 : vector<256x32x128xi32> to vector<256x32x128xf32>
    %reduce_sum3A_411 = arith.constant dense<0.000000e+00> : vector<256xf32>
    %reduce_sum3A_412 = vector.multi_reduction <add>, %convert_element_type3A_410, %reduce_sum3A_411 [1, 2] : vector<256x32x128xf32> to vector<256xf32>
    %broadcast_in_dim3A_413 = vector.shape_cast %reduce_sum3A_412 : vector<256xf32> to vector<256x1xf32>
    %gt3A_414 = arith.constant 1.700000e+01 : f32
    %gt3A_415 = vector.broadcast %gt3A_414 : f32 to vector<256x1xf32>
    %gt3A_416 = arith.cmpf ogt, %broadcast_in_dim3A_44, %gt3A_415 : vector<256x1xf32>
    %select_n3A_417 = arith.select %gt3A_416, %broadcast_in_dim3A_413, %select_n3A : vector<256x1xi1>, vector<256x1xf32>
    %convert_element_type3A_418 = arith.fptosi %select_n3A_417 : vector<256x1xf32> to vector<256x1xi32>
    %add3A_419 = vector.broadcast %mul3A_46 : i32 to vector<256x1xi32>
    %add3A_420 = arith.addi %convert_element_type3A_418, %add3A_419 : vector<256x1xi32>
    %swap3A_421 = arith.constant 0 : index
    %swap3A_422 = arith.constant 0 : index
    %swap3A_423 = arith.constant 17 : index
    %swap3A_424 = vector.load %arg4[%swap3A_421, %swap3A_422, %swap3A_423] : memref<1x256x32xi32, #tpu.memory_space<vmem>>, vector<1x256x1xi32>
    %swap3A_425 = vector.shape_cast %swap3A_424 : vector<1x256x1xi32> to vector<256x1xi32>
    %swap3A_426 = vector.shape_cast %add3A_420 : vector<256x1xi32> to vector<1x256x1xi32>
    tpu.vector_store %arg4[%swap3A_421, %swap3A_422, %swap3A_423], %swap3A_426 {strides = array<i32>} : memref<1x256x32xi32, #tpu.memory_space<vmem>>, vector<1x256x1xi32>,
    %le3A_427 = arith.constant 1.800000e+01 : f32
    %le3A_428 = vector.broadcast %le3A_427 : f32 to vector<256x32x128xf32>
    %le3A_429 = arith.cmpf ole, %add3A_41, %le3A_428 : vector<256x32x128xf32>
    %convert_element_type3A_430 = arith.extui %le3A_429 : vector<256x32x128xi1> to vector<256x32x128xi32>
    %convert_element_type3A_431 = arith.sitofp %convert_element_type3A_430 : vector<256x32x128xi32> to vector<256x32x128xf32>
    %reduce_sum3A_432 = arith.constant dense<0.000000e+00> : vector<256xf32>
    %reduce_sum3A_433 = vector.multi_reduction <add>, %convert_element_type3A_431, %reduce_sum3A_432 [1, 2] : vector<256x32x128xf32> to vector<256xf32>
    %broadcast_in_dim3A_434 = vector.shape_cast %reduce_sum3A_433 : vector<256xf32> to vector<256x1xf32>
    %gt3A_435 = arith.constant 1.800000e+01 : f32
    %gt3A_436 = vector.broadcast %gt3A_435 : f32 to vector<256x1xf32>
    %gt3A_437 = arith.cmpf ogt, %broadcast_in_dim3A_44, %gt3A_436 : vector<256x1xf32>
    %select_n3A_438 = arith.select %gt3A_437, %broadcast_in_dim3A_434, %select_n3A : vector<256x1xi1>, vector<256x1xf32>
    %convert_element_type3A_439 = arith.fptosi %select_n3A_438 : vector<256x1xf32> to vector<256x1xi32>
    %add3A_440 = vector.broadcast %mul3A_46 : i32 to vector<256x1xi32>
    %add3A_441 = arith.addi %convert_element_type3A_439, %add3A_440 : vector<256x1xi32>
    %swap3A_442 = arith.constant 0 : index
    %swap3A_443 = arith.constant 0 : index
    %swap3A_444 = arith.constant 18 : index
    %swap3A_445 = vector.load %arg4[%swap3A_442, %swap3A_443, %swap3A_444] : memref<1x256x32xi32, #tpu.memory_space<vmem>>, vector<1x256x1xi32>
    %swap3A_446 = vector.shape_cast %swap3A_445 : vector<1x256x1xi32> to vector<256x1xi32>
    %swap3A_447 = vector.shape_cast %add3A_441 : vector<256x1xi32> to vector<1x256x1xi32>
    tpu.vector_store %arg4[%swap3A_442, %swap3A_443, %swap3A_444], %swap3A_447 {strides = array<i32>} : memref<1x256x32xi32, #tpu.memory_space<vmem>>, vector<1x256x1xi32>,
    %le3A_448 = arith.constant 1.900000e+01 : f32
    %le3A_449 = vector.broadcast %le3A_448 : f32 to vector<256x32x128xf32>
    %le3A_450 = arith.cmpf ole, %add3A_41, %le3A_449 : vector<256x32x128xf32>
    %convert_element_type3A_451 = arith.extui %le3A_450 : vector<256x32x128xi1> to vector<256x32x128xi32>
    %convert_element_type3A_452 = arith.sitofp %convert_element_type3A_451 : vector<256x32x128xi32> to vector<256x32x128xf32>
    %reduce_sum3A_453 = arith.constant dense<0.000000e+00> : vector<256xf32>
    %reduce_sum3A_454 = vector.multi_reduction <add>, %convert_element_type3A_452, %reduce_sum3A_453 [1, 2] : vector<256x32x128xf32> to vector<256xf32>
    %broadcast_in_dim3A_455 = vector.shape_cast %reduce_sum3A_454 : vector<256xf32> to vector<256x1xf32>
    %gt3A_456 = arith.constant 1.900000e+01 : f32
    %gt3A_457 = vector.broadcast %gt3A_456 : f32 to vector<256x1xf32>
    %gt3A_458 = arith.cmpf ogt, %broadcast_in_dim3A_44, %gt3A_457 : vector<256x1xf32>
    %select_n3A_459 = arith.select %gt3A_458, %broadcast_in_dim3A_455, %select_n3A : vector<256x1xi1>, vector<256x1xf32>
    %convert_element_type3A_460 = arith.fptosi %select_n3A_459 : vector<256x1xf32> to vector<256x1xi32>
    %add3A_461 = vector.broadcast %mul3A_46 : i32 to vector<256x1xi32>
    %add3A_462 = arith.addi %convert_element_type3A_460, %add3A_461 : vector<256x1xi32>
    %swap3A_463 = arith.constant 0 : index
    %swap3A_464 = arith.constant 0 : index
    %swap3A_465 = arith.constant 19 : index
    %swap3A_466 = vector.load %arg4[%swap3A_463, %swap3A_464, %swap3A_465] : memref<1x256x32xi32, #tpu.memory_space<vmem>>, vector<1x256x1xi32>
    %swap3A_467 = vector.shape_cast %swap3A_466 : vector<1x256x1xi32> to vector<256x1xi32>
    %swap3A_468 = vector.shape_cast %add3A_462 : vector<256x1xi32> to vector<1x256x1xi32>
    tpu.vector_store %arg4[%swap3A_463, %swap3A_464, %swap3A_465], %swap3A_468 {strides = array<i32>} : memref<1x256x32xi32, #tpu.memory_space<vmem>>, vector<1x256x1xi32>,
    %le3A_469 = arith.constant 2.000000e+01 : f32
    %le3A_470 = vector.broadcast %le3A_469 : f32 to vector<256x32x128xf32>
    %le3A_471 = arith.cmpf ole, %add3A_41, %le3A_470 : vector<256x32x128xf32>
    %convert_element_type3A_472 = arith.extui %le3A_471 : vector<256x32x128xi1> to vector<256x32x128xi32>
    %convert_element_type3A_473 = arith.sitofp %convert_element_type3A_472 : vector<256x32x128xi32> to vector<256x32x128xf32>
    %reduce_sum3A_474 = arith.constant dense<0.000000e+00> : vector<256xf32>
    %reduce_sum3A_475 = vector.multi_reduction <add>, %convert_element_type3A_473, %reduce_sum3A_474 [1, 2] : vector<256x32x128xf32> to vector<256xf32>
    %broadcast_in_dim3A_476 = vector.shape_cast %reduce_sum3A_475 : vector<256xf32> to vector<256x1xf32>
    %gt3A_477 = arith.constant 2.000000e+01 : f32
    %gt3A_478 = vector.broadcast %gt3A_477 : f32 to vector<256x1xf32>
    %gt3A_479 = arith.cmpf ogt, %broadcast_in_dim3A_44, %gt3A_478 : vector<256x1xf32>
    %select_n3A_480 = arith.select %gt3A_479, %broadcast_in_dim3A_476, %select_n3A : vector<256x1xi1>, vector<256x1xf32>
    %convert_element_type3A_481 = arith.fptosi %select_n3A_480 : vector<256x1xf32> to vector<256x1xi32>
    %add3A_482 = vector.broadcast %mul3A_46 : i32 to vector<256x1xi32>
    %add3A_483 = arith.addi %convert_element_type3A_481, %add3A_482 : vector<256x1xi32>
    %swap3A_484 = arith.constant 0 : index
    %swap3A_485 = arith.constant 0 : index
    %swap3A_486 = arith.constant 20 : index
    %swap3A_487 = vector.load %arg4[%swap3A_484, %swap3A_485, %swap3A_486] : memref<1x256x32xi32, #tpu.memory_space<vmem>>, vector<1x256x1xi32>
    %swap3A_488 = vector.shape_cast %swap3A_487 : vector<1x256x1xi32> to vector<256x1xi32>
    %swap3A_489 = vector.shape_cast %add3A_483 : vector<256x1xi32> to vector<1x256x1xi32>
    tpu.vector_store %arg4[%swap3A_484, %swap3A_485, %swap3A_486], %swap3A_489 {strides = array<i32>} : memref<1x256x32xi32, #tpu.memory_space<vmem>>, vector<1x256x1xi32>,
    %le3A_490 = arith.constant 2.100000e+01 : f32
    %le3A_491 = vector.broadcast %le3A_490 : f32 to vector<256x32x128xf32>
    %le3A_492 = arith.cmpf ole, %add3A_41, %le3A_491 : vector<256x32x128xf32>
    %convert_element_type3A_493 = arith.extui %le3A_492 : vector<256x32x128xi1> to vector<256x32x128xi32>
    %convert_element_type3A_494 = arith.sitofp %convert_element_type3A_493 : vector<256x32x128xi32> to vector<256x32x128xf32>
    %reduce_sum3A_495 = arith.constant dense<0.000000e+00> : vector<256xf32>
    %reduce_sum3A_496 = vector.multi_reduction <add>, %convert_element_type3A_494, %reduce_sum3A_495 [1, 2] : vector<256x32x128xf32> to vector<256xf32>
    %broadcast_in_dim3A_497 = vector.shape_cast %reduce_sum3A_496 : vector<256xf32> to vector<256x1xf32>
    %gt3A_498 = arith.constant 2.100000e+01 : f32
    %gt3A_499 = vector.broadcast %gt3A_498 : f32 to vector<256x1xf32>
    %gt3A_500 = arith.cmpf ogt, %broadcast_in_dim3A_44, %gt3A_499 : vector<256x1xf32>
    %select_n3A_501 = arith.select %gt3A_500, %broadcast_in_dim3A_497, %select_n3A : vector<256x1xi1>, vector<256x1xf32>
    %convert_element_type3A_502 = arith.fptosi %select_n3A_501 : vector<256x1xf32> to vector<256x1xi32>
    %add3A_503 = vector.broadcast %mul3A_46 : i32 to vector<256x1xi32>
    %add3A_504 = arith.addi %convert_element_type3A_502, %add3A_503 : vector<256x1xi32>
    %swap3A_505 = arith.constant 0 : index
    %swap3A_506 = arith.constant 0 : index
    %swap3A_507 = arith.constant 21 : index
    %swap3A_508 = vector.load %arg4[%swap3A_505, %swap3A_506, %swap3A_507] : memref<1x256x32xi32, #tpu.memory_space<vmem>>, vector<1x256x1xi32>
    %swap3A_509 = vector.shape_cast %swap3A_508 : vector<1x256x1xi32> to vector<256x1xi32>
    %swap3A_510 = vector.shape_cast %add3A_504 : vector<256x1xi32> to vector<1x256x1xi32>
    tpu.vector_store %arg4[%swap3A_505, %swap3A_506, %swap3A_507], %swap3A_510 {strides = array<i32>} : memref<1x256x32xi32, #tpu.memory_space<vmem>>, vector<1x256x1xi32>,
    %le3A_511 = arith.constant 2.200000e+01 : f32
    %le3A_512 = vector.broadcast %le3A_511 : f32 to vector<256x32x128xf32>
    %le3A_513 = arith.cmpf ole, %add3A_41, %le3A_512 : vector<256x32x128xf32>
    %convert_element_type3A_514 = arith.extui %le3A_513 : vector<256x32x128xi1> to vector<256x32x128xi32>
    %convert_element_type3A_515 = arith.sitofp %convert_element_type3A_514 : vector<256x32x128xi32> to vector<256x32x128xf32>
    %reduce_sum3A_516 = arith.constant dense<0.000000e+00> : vector<256xf32>
    %reduce_sum3A_517 = vector.multi_reduction <add>, %convert_element_type3A_515, %reduce_sum3A_516 [1, 2] : vector<256x32x128xf32> to vector<256xf32>
    %broadcast_in_dim3A_518 = vector.shape_cast %reduce_sum3A_517 : vector<256xf32> to vector<256x1xf32>
    %gt3A_519 = arith.constant 2.200000e+01 : f32
    %gt3A_520 = vector.broadcast %gt3A_519 : f32 to vector<256x1xf32>
    %gt3A_521 = arith.cmpf ogt, %broadcast_in_dim3A_44, %gt3A_520 : vector<256x1xf32>
    %select_n3A_522 = arith.select %gt3A_521, %broadcast_in_dim3A_518, %select_n3A : vector<256x1xi1>, vector<256x1xf32>
    %convert_element_type3A_523 = arith.fptosi %select_n3A_522 : vector<256x1xf32> to vector<256x1xi32>
    %add3A_524 = vector.broadcast %mul3A_46 : i32 to vector<256x1xi32>
    %add3A_525 = arith.addi %convert_element_type3A_523, %add3A_524 : vector<256x1xi32>
    %swap3A_526 = arith.constant 0 : index
    %swap3A_527 = arith.constant 0 : index
    %swap3A_528 = arith.constant 22 : index
    %swap3A_529 = vector.load %arg4[%swap3A_526, %swap3A_527, %swap3A_528] : memref<1x256x32xi32, #tpu.memory_space<vmem>>, vector<1x256x1xi32>
    %swap3A_530 = vector.shape_cast %swap3A_529 : vector<1x256x1xi32> to vector<256x1xi32>
    %swap3A_531 = vector.shape_cast %add3A_525 : vector<256x1xi32> to vector<1x256x1xi32>
    tpu.vector_store %arg4[%swap3A_526, %swap3A_527, %swap3A_528], %swap3A_531 {strides = array<i32>} : memref<1x256x32xi32, #tpu.memory_space<vmem>>, vector<1x256x1xi32>,
    %le3A_532 = arith.constant 2.300000e+01 : f32
    %le3A_533 = vector.broadcast %le3A_532 : f32 to vector<256x32x128xf32>
    %le3A_534 = arith.cmpf ole, %add3A_41, %le3A_533 : vector<256x32x128xf32>
    %convert_element_type3A_535 = arith.extui %le3A_534 : vector<256x32x128xi1> to vector<256x32x128xi32>
    %convert_element_type3A_536 = arith.sitofp %convert_element_type3A_535 : vector<256x32x128xi32> to vector<256x32x128xf32>
    %reduce_sum3A_537 = arith.constant dense<0.000000e+00> : vector<256xf32>
    %reduce_sum3A_538 = vector.multi_reduction <add>, %convert_element_type3A_536, %reduce_sum3A_537 [1, 2] : vector<256x32x128xf32> to vector<256xf32>
    %broadcast_in_dim3A_539 = vector.shape_cast %reduce_sum3A_538 : vector<256xf32> to vector<256x1xf32>
    %gt3A_540 = arith.constant 2.300000e+01 : f32
    %gt3A_541 = vector.broadcast %gt3A_540 : f32 to vector<256x1xf32>
    %gt3A_542 = arith.cmpf ogt, %broadcast_in_dim3A_44, %gt3A_541 : vector<256x1xf32>
    %select_n3A_543 = arith.select %gt3A_542, %broadcast_in_dim3A_539, %select_n3A : vector<256x1xi1>, vector<256x1xf32>
    %convert_element_type3A_544 = arith.fptosi %select_n3A_543 : vector<256x1xf32> to vector<256x1xi32>
    %add3A_545 = vector.broadcast %mul3A_46 : i32 to vector<256x1xi32>
    %add3A_546 = arith.addi %convert_element_type3A_544, %add3A_545 : vector<256x1xi32>
    %swap3A_547 = arith.constant 0 : index
    %swap3A_548 = arith.constant 0 : index
    %swap3A_549 = arith.constant 23 : index
    %swap3A_550 = vector.load %arg4[%swap3A_547, %swap3A_548, %swap3A_549] : memref<1x256x32xi32, #tpu.memory_space<vmem>>, vector<1x256x1xi32>
    %swap3A_551 = vector.shape_cast %swap3A_550 : vector<1x256x1xi32> to vector<256x1xi32>
    %swap3A_552 = vector.shape_cast %add3A_546 : vector<256x1xi32> to vector<1x256x1xi32>
    tpu.vector_store %arg4[%swap3A_547, %swap3A_548, %swap3A_549], %swap3A_552 {strides = array<i32>} : memref<1x256x32xi32, #tpu.memory_space<vmem>>, vector<1x256x1xi32>,
    %le3A_553 = arith.constant 2.400000e+01 : f32
    %le3A_554 = vector.broadcast %le3A_553 : f32 to vector<256x32x128xf32>
    %le3A_555 = arith.cmpf ole, %add3A_41, %le3A_554 : vector<256x32x128xf32>
    %convert_element_type3A_556 = arith.extui %le3A_555 : vector<256x32x128xi1> to vector<256x32x128xi32>
    %convert_element_type3A_557 = arith.sitofp %convert_element_type3A_556 : vector<256x32x128xi32> to vector<256x32x128xf32>
    %reduce_sum3A_558 = arith.constant dense<0.000000e+00> : vector<256xf32>
    %reduce_sum3A_559 = vector.multi_reduction <add>, %convert_element_type3A_557, %reduce_sum3A_558 [1, 2] : vector<256x32x128xf32> to vector<256xf32>
    %broadcast_in_dim3A_560 = vector.shape_cast %reduce_sum3A_559 : vector<256xf32> to vector<256x1xf32>
    %gt3A_561 = arith.constant 2.400000e+01 : f32
    %gt3A_562 = vector.broadcast %gt3A_561 : f32 to vector<256x1xf32>
    %gt3A_563 = arith.cmpf ogt, %broadcast_in_dim3A_44, %gt3A_562 : vector<256x1xf32>
    %select_n3A_564 = arith.select %gt3A_563, %broadcast_in_dim3A_560, %select_n3A : vector<256x1xi1>, vector<256x1xf32>
    %convert_element_type3A_565 = arith.fptosi %select_n3A_564 : vector<256x1xf32> to vector<256x1xi32>
    %add3A_566 = vector.broadcast %mul3A_46 : i32 to vector<256x1xi32>
    %add3A_567 = arith.addi %convert_element_type3A_565, %add3A_566 : vector<256x1xi32>
    %swap3A_568 = arith.constant 0 : index
    %swap3A_569 = arith.constant 0 : index
    %swap3A_570 = arith.constant 24 : index
    %swap3A_571 = vector.load %arg4[%swap3A_568, %swap3A_569, %swap3A_570] : memref<1x256x32xi32, #tpu.memory_space<vmem>>, vector<1x256x1xi32>
    %swap3A_572 = vector.shape_cast %swap3A_571 : vector<1x256x1xi32> to vector<256x1xi32>
    %swap3A_573 = vector.shape_cast %add3A_567 : vector<256x1xi32> to vector<1x256x1xi32>
    tpu.vector_store %arg4[%swap3A_568, %swap3A_569, %swap3A_570], %swap3A_573 {strides = array<i32>} : memref<1x256x32xi32, #tpu.memory_space<vmem>>, vector<1x256x1xi32>,
    %le3A_574 = arith.constant 2.500000e+01 : f32
    %le3A_575 = vector.broadcast %le3A_574 : f32 to vector<256x32x128xf32>
    %le3A_576 = arith.cmpf ole, %add3A_41, %le3A_575 : vector<256x32x128xf32>
    %convert_element_type3A_577 = arith.extui %le3A_576 : vector<256x32x128xi1> to vector<256x32x128xi32>
    %convert_element_type3A_578 = arith.sitofp %convert_element_type3A_577 : vector<256x32x128xi32> to vector<256x32x128xf32>
    %reduce_sum3A_579 = arith.constant dense<0.000000e+00> : vector<256xf32>
    %reduce_sum3A_580 = vector.multi_reduction <add>, %convert_element_type3A_578, %reduce_sum3A_579 [1, 2] : vector<256x32x128xf32> to vector<256xf32>
    %broadcast_in_dim3A_581 = vector.shape_cast %reduce_sum3A_580 : vector<256xf32> to vector<256x1xf32>
    %gt3A_582 = arith.constant 2.500000e+01 : f32
    %gt3A_583 = vector.broadcast %gt3A_582 : f32 to vector<256x1xf32>
    %gt3A_584 = arith.cmpf ogt, %broadcast_in_dim3A_44, %gt3A_583 : vector<256x1xf32>
    %select_n3A_585 = arith.select %gt3A_584, %broadcast_in_dim3A_581, %select_n3A : vector<256x1xi1>, vector<256x1xf32>
    %convert_element_type3A_586 = arith.fptosi %select_n3A_585 : vector<256x1xf32> to vector<256x1xi32>
    %add3A_587 = vector.broadcast %mul3A_46 : i32 to vector<256x1xi32>
    %add3A_588 = arith.addi %convert_element_type3A_586, %add3A_587 : vector<256x1xi32>
    %swap3A_589 = arith.constant 0 : index
    %swap3A_590 = arith.constant 0 : index
    %swap3A_591 = arith.constant 25 : index
    %swap3A_592 = vector.load %arg4[%swap3A_589, %swap3A_590, %swap3A_591] : memref<1x256x32xi32, #tpu.memory_space<vmem>>, vector<1x256x1xi32>
    %swap3A_593 = vector.shape_cast %swap3A_592 : vector<1x256x1xi32> to vector<256x1xi32>
    %swap3A_594 = vector.shape_cast %add3A_588 : vector<256x1xi32> to vector<1x256x1xi32>
    tpu.vector_store %arg4[%swap3A_589, %swap3A_590, %swap3A_591], %swap3A_594 {strides = array<i32>} : memref<1x256x32xi32, #tpu.memory_space<vmem>>, vector<1x256x1xi32>,
    %le3A_595 = arith.constant 2.600000e+01 : f32
    %le3A_596 = vector.broadcast %le3A_595 : f32 to vector<256x32x128xf32>
    %le3A_597 = arith.cmpf ole, %add3A_41, %le3A_596 : vector<256x32x128xf32>
    %convert_element_type3A_598 = arith.extui %le3A_597 : vector<256x32x128xi1> to vector<256x32x128xi32>
    %convert_element_type3A_599 = arith.sitofp %convert_element_type3A_598 : vector<256x32x128xi32> to vector<256x32x128xf32>
    %reduce_sum3A_600 = arith.constant dense<0.000000e+00> : vector<256xf32>
    %reduce_sum3A_601 = vector.multi_reduction <add>, %convert_element_type3A_599, %reduce_sum3A_600 [1, 2] : vector<256x32x128xf32> to vector<256xf32>
    %broadcast_in_dim3A_602 = vector.shape_cast %reduce_sum3A_601 : vector<256xf32> to vector<256x1xf32>
    %gt3A_603 = arith.constant 2.600000e+01 : f32
    %gt3A_604 = vector.broadcast %gt3A_603 : f32 to vector<256x1xf32>
    %gt3A_605 = arith.cmpf ogt, %broadcast_in_dim3A_44, %gt3A_604 : vector<256x1xf32>
    %select_n3A_606 = arith.select %gt3A_605, %broadcast_in_dim3A_602, %select_n3A : vector<256x1xi1>, vector<256x1xf32>
    %convert_element_type3A_607 = arith.fptosi %select_n3A_606 : vector<256x1xf32> to vector<256x1xi32>
    %add3A_608 = vector.broadcast %mul3A_46 : i32 to vector<256x1xi32>
    %add3A_609 = arith.addi %convert_element_type3A_607, %add3A_608 : vector<256x1xi32>
    %swap3A_610 = arith.constant 0 : index
    %swap3A_611 = arith.constant 0 : index
    %swap3A_612 = arith.constant 26 : index
    %swap3A_613 = vector.load %arg4[%swap3A_610, %swap3A_611, %swap3A_612] : memref<1x256x32xi32, #tpu.memory_space<vmem>>, vector<1x256x1xi32>
    %swap3A_614 = vector.shape_cast %swap3A_613 : vector<1x256x1xi32> to vector<256x1xi32>
    %swap3A_615 = vector.shape_cast %add3A_609 : vector<256x1xi32> to vector<1x256x1xi32>
    tpu.vector_store %arg4[%swap3A_610, %swap3A_611, %swap3A_612], %swap3A_615 {strides = array<i32>} : memref<1x256x32xi32, #tpu.memory_space<vmem>>, vector<1x256x1xi32>,
    %le3A_616 = arith.constant 2.700000e+01 : f32
    %le3A_617 = vector.broadcast %le3A_616 : f32 to vector<256x32x128xf32>
    %le3A_618 = arith.cmpf ole, %add3A_41, %le3A_617 : vector<256x32x128xf32>
    %convert_element_type3A_619 = arith.extui %le3A_618 : vector<256x32x128xi1> to vector<256x32x128xi32>
    %convert_element_type3A_620 = arith.sitofp %convert_element_type3A_619 : vector<256x32x128xi32> to vector<256x32x128xf32>
    %reduce_sum3A_621 = arith.constant dense<0.000000e+00> : vector<256xf32>
    %reduce_sum3A_622 = vector.multi_reduction <add>, %convert_element_type3A_620, %reduce_sum3A_621 [1, 2] : vector<256x32x128xf32> to vector<256xf32>
    %broadcast_in_dim3A_623 = vector.shape_cast %reduce_sum3A_622 : vector<256xf32> to vector<256x1xf32>
    %gt3A_624 = arith.constant 2.700000e+01 : f32
    %gt3A_625 = vector.broadcast %gt3A_624 : f32 to vector<256x1xf32>
    %gt3A_626 = arith.cmpf ogt, %broadcast_in_dim3A_44, %gt3A_625 : vector<256x1xf32>
    %select_n3A_627 = arith.select %gt3A_626, %broadcast_in_dim3A_623, %select_n3A : vector<256x1xi1>, vector<256x1xf32>
    %convert_element_type3A_628 = arith.fptosi %select_n3A_627 : vector<256x1xf32> to vector<256x1xi32>
    %add3A_629 = vector.broadcast %mul3A_46 : i32 to vector<256x1xi32>
    %add3A_630 = arith.addi %convert_element_type3A_628, %add3A_629 : vector<256x1xi32>
    %swap3A_631 = arith.constant 0 : index
    %swap3A_632 = arith.constant 0 : index
    %swap3A_633 = arith.constant 27 : index
    %swap3A_634 = vector.load %arg4[%swap3A_631, %swap3A_632, %swap3A_633] : memref<1x256x32xi32, #tpu.memory_space<vmem>>, vector<1x256x1xi32>
    %swap3A_635 = vector.shape_cast %swap3A_634 : vector<1x256x1xi32> to vector<256x1xi32>
    %swap3A_636 = vector.shape_cast %add3A_630 : vector<256x1xi32> to vector<1x256x1xi32>
    tpu.vector_store %arg4[%swap3A_631, %swap3A_632, %swap3A_633], %swap3A_636 {strides = array<i32>} : memref<1x256x32xi32, #tpu.memory_space<vmem>>, vector<1x256x1xi32>,
    %le3A_637 = arith.constant 2.800000e+01 : f32
    %le3A_638 = vector.broadcast %le3A_637 : f32 to vector<256x32x128xf32>
    %le3A_639 = arith.cmpf ole, %add3A_41, %le3A_638 : vector<256x32x128xf32>
    %convert_element_type3A_640 = arith.extui %le3A_639 : vector<256x32x128xi1> to vector<256x32x128xi32>
    %convert_element_type3A_641 = arith.sitofp %convert_element_type3A_640 : vector<256x32x128xi32> to vector<256x32x128xf32>
    %reduce_sum3A_642 = arith.constant dense<0.000000e+00> : vector<256xf32>
    %reduce_sum3A_643 = vector.multi_reduction <add>, %convert_element_type3A_641, %reduce_sum3A_642 [1, 2] : vector<256x32x128xf32> to vector<256xf32>
    %broadcast_in_dim3A_644 = vector.shape_cast %reduce_sum3A_643 : vector<256xf32> to vector<256x1xf32>
    %gt3A_645 = arith.constant 2.800000e+01 : f32
    %gt3A_646 = vector.broadcast %gt3A_645 : f32 to vector<256x1xf32>
    %gt3A_647 = arith.cmpf ogt, %broadcast_in_dim3A_44, %gt3A_646 : vector<256x1xf32>
    %select_n3A_648 = arith.select %gt3A_647, %broadcast_in_dim3A_644, %select_n3A : vector<256x1xi1>, vector<256x1xf32>
    %convert_element_type3A_649 = arith.fptosi %select_n3A_648 : vector<256x1xf32> to vector<256x1xi32>
    %add3A_650 = vector.broadcast %mul3A_46 : i32 to vector<256x1xi32>
    %add3A_651 = arith.addi %convert_element_type3A_649, %add3A_650 : vector<256x1xi32>
    %swap3A_652 = arith.constant 0 : index
    %swap3A_653 = arith.constant 0 : index
    %swap3A_654 = arith.constant 28 : index
    %swap3A_655 = vector.load %arg4[%swap3A_652, %swap3A_653, %swap3A_654] : memref<1x256x32xi32, #tpu.memory_space<vmem>>, vector<1x256x1xi32>
    %swap3A_656 = vector.shape_cast %swap3A_655 : vector<1x256x1xi32> to vector<256x1xi32>
    %swap3A_657 = vector.shape_cast %add3A_651 : vector<256x1xi32> to vector<1x256x1xi32>
    tpu.vector_store %arg4[%swap3A_652, %swap3A_653, %swap3A_654], %swap3A_657 {strides = array<i32>} : memref<1x256x32xi32, #tpu.memory_space<vmem>>, vector<1x256x1xi32>,
    %le3A_658 = arith.constant 2.900000e+01 : f32
    %le3A_659 = vector.broadcast %le3A_658 : f32 to vector<256x32x128xf32>
    %le3A_660 = arith.cmpf ole, %add3A_41, %le3A_659 : vector<256x32x128xf32>
    %convert_element_type3A_661 = arith.extui %le3A_660 : vector<256x32x128xi1> to vector<256x32x128xi32>
    %convert_element_type3A_662 = arith.sitofp %convert_element_type3A_661 : vector<256x32x128xi32> to vector<256x32x128xf32>
    %reduce_sum3A_663 = arith.constant dense<0.000000e+00> : vector<256xf32>
    %reduce_sum3A_664 = vector.multi_reduction <add>, %convert_element_type3A_662, %reduce_sum3A_663 [1, 2] : vector<256x32x128xf32> to vector<256xf32>
    %broadcast_in_dim3A_665 = vector.shape_cast %reduce_sum3A_664 : vector<256xf32> to vector<256x1xf32>
    %gt3A_666 = arith.constant 2.900000e+01 : f32
    %gt3A_667 = vector.broadcast %gt3A_666 : f32 to vector<256x1xf32>
    %gt3A_668 = arith.cmpf ogt, %broadcast_in_dim3A_44, %gt3A_667 : vector<256x1xf32>
    %select_n3A_669 = arith.select %gt3A_668, %broadcast_in_dim3A_665, %select_n3A : vector<256x1xi1>, vector<256x1xf32>
    %convert_element_type3A_670 = arith.fptosi %select_n3A_669 : vector<256x1xf32> to vector<256x1xi32>
    %add3A_671 = vector.broadcast %mul3A_46 : i32 to vector<256x1xi32>
    %add3A_672 = arith.addi %convert_element_type3A_670, %add3A_671 : vector<256x1xi32>
    %swap3A_673 = arith.constant 0 : index
    %swap3A_674 = arith.constant 0 : index
    %swap3A_675 = arith.constant 29 : index
    %swap3A_676 = vector.load %arg4[%swap3A_673, %swap3A_674, %swap3A_675] : memref<1x256x32xi32, #tpu.memory_space<vmem>>, vector<1x256x1xi32>
    %swap3A_677 = vector.shape_cast %swap3A_676 : vector<1x256x1xi32> to vector<256x1xi32>
    %swap3A_678 = vector.shape_cast %add3A_672 : vector<256x1xi32> to vector<1x256x1xi32>
    tpu.vector_store %arg4[%swap3A_673, %swap3A_674, %swap3A_675], %swap3A_678 {strides = array<i32>} : memref<1x256x32xi32, #tpu.memory_space<vmem>>, vector<1x256x1xi32>,
    %le3A_679 = arith.constant 3.000000e+01 : f32
    %le3A_680 = vector.broadcast %le3A_679 : f32 to vector<256x32x128xf32>
    %le3A_681 = arith.cmpf ole, %add3A_41, %le3A_680 : vector<256x32x128xf32>
    %convert_element_type3A_682 = arith.extui %le3A_681 : vector<256x32x128xi1> to vector<256x32x128xi32>
    %convert_element_type3A_683 = arith.sitofp %convert_element_type3A_682 : vector<256x32x128xi32> to vector<256x32x128xf32>
    %reduce_sum3A_684 = arith.constant dense<0.000000e+00> : vector<256xf32>
    %reduce_sum3A_685 = vector.multi_reduction <add>, %convert_element_type3A_683, %reduce_sum3A_684 [1, 2] : vector<256x32x128xf32> to vector<256xf32>
    %broadcast_in_dim3A_686 = vector.shape_cast %reduce_sum3A_685 : vector<256xf32> to vector<256x1xf32>
    %gt3A_687 = arith.constant 3.000000e+01 : f32
    %gt3A_688 = vector.broadcast %gt3A_687 : f32 to vector<256x1xf32>
    %gt3A_689 = arith.cmpf ogt, %broadcast_in_dim3A_44, %gt3A_688 : vector<256x1xf32>
    %select_n3A_690 = arith.select %gt3A_689, %broadcast_in_dim3A_686, %select_n3A : vector<256x1xi1>, vector<256x1xf32>
    %convert_element_type3A_691 = arith.fptosi %select_n3A_690 : vector<256x1xf32> to vector<256x1xi32>
    %add3A_692 = vector.broadcast %mul3A_46 : i32 to vector<256x1xi32>
    %add3A_693 = arith.addi %convert_element_type3A_691, %add3A_692 : vector<256x1xi32>
    %swap3A_694 = arith.constant 0 : index
    %swap3A_695 = arith.constant 0 : index
    %swap3A_696 = arith.constant 30 : index
    %swap3A_697 = vector.load %arg4[%swap3A_694, %swap3A_695, %swap3A_696] : memref<1x256x32xi32, #tpu.memory_space<vmem>>, vector<1x256x1xi32>
    %swap3A_698 = vector.shape_cast %swap3A_697 : vector<1x256x1xi32> to vector<256x1xi32>
    %swap3A_699 = vector.shape_cast %add3A_693 : vector<256x1xi32> to vector<1x256x1xi32>
    tpu.vector_store %arg4[%swap3A_694, %swap3A_695, %swap3A_696], %swap3A_699 {strides = array<i32>} : memref<1x256x32xi32, #tpu.memory_space<vmem>>, vector<1x256x1xi32>,
    %le3A_700 = arith.constant 3.100000e+01 : f32
    %le3A_701 = vector.broadcast %le3A_700 : f32 to vector<256x32x128xf32>
    %le3A_702 = arith.cmpf ole, %add3A_41, %le3A_701 : vector<256x32x128xf32>
    %convert_element_type3A_703 = arith.extui %le3A_702 : vector<256x32x128xi1> to vector<256x32x128xi32>
    %convert_element_type3A_704 = arith.sitofp %convert_element_type3A_703 : vector<256x32x128xi32> to vector<256x32x128xf32>
    %reduce_sum3A_705 = arith.constant dense<0.000000e+00> : vector<256xf32>
    %reduce_sum3A_706 = vector.multi_reduction <add>, %convert_element_type3A_704, %reduce_sum3A_705 [1, 2] : vector<256x32x128xf32> to vector<256xf32>
    %broadcast_in_dim3A_707 = vector.shape_cast %reduce_sum3A_706 : vector<256xf32> to vector<256x1xf32>
    %gt3A_708 = arith.constant 3.100000e+01 : f32
    %gt3A_709 = vector.broadcast %gt3A_708 : f32 to vector<256x1xf32>
    %gt3A_710 = arith.cmpf ogt, %broadcast_in_dim3A_44, %gt3A_709 : vector<256x1xf32>
    %select_n3A_711 = arith.select %gt3A_710, %broadcast_in_dim3A_707, %select_n3A : vector<256x1xi1>, vector<256x1xf32>
    %convert_element_type3A_712 = arith.fptosi %select_n3A_711 : vector<256x1xf32> to vector<256x1xi32>
    %add3A_713 = vector.broadcast %mul3A_46 : i32 to vector<256x1xi32>
    %add3A_714 = arith.addi %convert_element_type3A_712, %add3A_713 : vector<256x1xi32>
    %swap3A_715 = arith.constant 0 : index
    %swap3A_716 = arith.constant 0 : index
    %swap3A_717 = arith.constant 31 : index
    %swap3A_718 = vector.load %arg4[%swap3A_715, %swap3A_716, %swap3A_717] : memref<1x256x32xi32, #tpu.memory_space<vmem>>, vector<1x256x1xi32>
    %swap3A_719 = vector.shape_cast %swap3A_718 : vector<1x256x1xi32> to vector<256x1xi32>
    %swap3A_720 = vector.shape_cast %add3A_714 : vector<256x1xi32> to vector<1x256x1xi32>
    tpu.vector_store %arg4[%swap3A_715, %swap3A_716, %swap3A_717], %swap3A_720 {strides = array<i32>} : memref<1x256x32xi32, #tpu.memory_space<vmem>>, vector<1x256x1xi32>,
    return
  }
  func.func @transform_0(%arg0: i32, %arg1: i32) -> (i32, i32, i32) {
    %c0_i32 = arith.constant 0 : i32
    %c0_i32_0 = arith.constant 0 : i32
    return %arg0, %arg1, %c0_i32 : i32, i32, i32
  }
  func.func @transform_1(%arg0: i32, %arg1: i32) -> (i32, i32, i32) {
    %c0_i32 = arith.constant 0 : i32
    %c0_i32_0 = arith.constant 0 : i32
    %c0_i32_1 = arith.constant 0 : i32
    return %arg0, %c0_i32, %c0_i32_0 : i32, i32, i32
  }
  func.func @transform_2(%arg0: i32, %arg1: i32) -> (i32, i32, i32) {
    %c0_i32 = arith.constant 0 : i32
    %c0_i32_0 = arith.constant 0 : i32
    return %arg0, %arg1, %c0_i32 : i32, i32, i32
  }
}

module attributes {stable_mosaic.version = 14 : i64} {
  func.func @_mlp1_body(%arg0: i32, %arg1: memref<8192x128xf32, #tpu.memory_space<vmem>>, %arg2: memref<256x3xf32, #tpu.memory_space<vmem>>, %arg3: memref<128x64xf32, #tpu.memory_space<vmem>>, %arg4: memref<1x64xf32, #tpu.memory_space<vmem>>, %arg5: memref<8192x64xf32, #tpu.memory_space<vmem>>, %arg6: memref<8x64xf32, #tpu.memory_space<vmem>>) attributes {dimension_semantics = [#tpu.dimension_semantics<arbitrary>], iteration_bounds = array<i64: 16>, scalar_prefetch = 0 : i64, scratch_operands = 0 : i64, tpu.core_type = #tpu.core_type<tc>, window_params = [{transform_indices = @transform_0, window_bounds = array<i64: 8192, 128>}, {transform_indices = @transform_1, window_bounds = array<i64: 256, 3>}, {pipeline_mode = #tpu.pipeline_mode<synchronous>, transform_indices = @transform_2, window_bounds = array<i64: 128, 64>}, {pipeline_mode = #tpu.pipeline_mode<synchronous>, transform_indices = @transform_3, window_bounds = array<i64: 1, 64>}, {transform_indices = @transform_4, window_bounds = array<i64: 8192, 64>}, {pipeline_mode = #tpu.pipeline_mode<synchronous>, transform_indices = @transform_5, window_bounds = array<i64: 8, 64>}]} {
    %get3A = arith.constant 0 : index
    %get3A_0 = arith.constant 0 : index
    %get3A_1 = vector.load %arg1[%get3A, %get3A_0] : memref<8192x128xf32, #tpu.memory_space<vmem>>, vector<8192x128xf32>
    %get3A_2 = arith.constant 0 : index
    %get3A_3 = arith.constant 0 : index
    %get3A_4 = vector.load %arg3[%get3A_2, %get3A_3] : memref<128x64xf32, #tpu.memory_space<vmem>>, vector<128x64xf32>
    %get3A_5 = arith.constant 0 : index
    %get3A_6 = arith.constant 0 : index
    %get3A_7 = vector.load %arg2[%get3A_5, %get3A_6] : memref<256x3xf32, #tpu.memory_space<vmem>>, vector<256x3xf32>
    %slice3A = vector.extract_strided_slice %get3A_4 {offsets = [0, 0], sizes = [3, 64], strides = [1, 1]} : vector<128x64xf32> to vector<3x64xf32>
    %dot_general3A = arith.constant dense<0.000000e+00> : vector<256x64xf32>
    %dot_general3A_8 = tpu.matmul %get3A_7, %slice3A, %dot_general3A {dimension_numbers = #tpu.dot_dimension_numbers<[1], [0], [0], [1], [0, 0, 1, 1], [], []>, transpose_lhs_hint = false} : vector<256x3xf32>, vector<3x64xf32>, vector<256x64xf32> -> vector<256x64xf32>
    %broadcast_in_dim3A = vector.shape_cast %dot_general3A_8 : vector<256x64xf32> to vector<256x1x64xf32>
    %broadcast_in_dim3A_9 = vector.shape_cast %broadcast_in_dim3A : vector<256x1x64xf32> to vector<256x1x64xf32>
    %broadcast_in_dim3A_10 = vector.broadcast %broadcast_in_dim3A_9 : vector<256x1x64xf32> to vector<256x32x64xf32>
    %reshape3A = vector.shape_cast %broadcast_in_dim3A_10 : vector<256x32x64xf32> to vector<8192x64xf32>
    %dot_general3A_11 = arith.constant dense<0.000000e+00> : vector<8192x64xf32>
    %dot_general3A_12 = tpu.matmul %get3A_1, %get3A_4, %dot_general3A_11 {dimension_numbers = #tpu.dot_dimension_numbers<[1], [0], [0], [1], [0, 0, 1, 1], [], []>, transpose_lhs_hint = false} : vector<8192x128xf32>, vector<128x64xf32>, vector<8192x64xf32> -> vector<8192x64xf32>
    %get3A_13 = arith.constant 0 : index
    %get3A_14 = arith.constant 0 : index
    %get3A_15 = vector.load %arg4[%get3A_13, %get3A_14] : memref<1x64xf32, #tpu.memory_space<vmem>>, vector<1x64xf32>
    %add3A = vector.broadcast %get3A_15 : vector<1x64xf32> to vector<8192x64xf32>
    %add3A_16 = arith.addf %dot_general3A_12, %add3A : vector<8192x64xf32>
    %sub3A = arith.subf %add3A_16, %reshape3A : vector<8192x64xf32>
    %swap3A = arith.constant 0 : index
    %swap3A_17 = arith.constant 0 : index
    %swap3A_18 = vector.load %arg5[%swap3A, %swap3A_17] : memref<8192x64xf32, #tpu.memory_space<vmem>>, vector<8192x64xf32>
    tpu.vector_store %arg5[%swap3A, %swap3A_17], %sub3A {strides = array<i32>} : memref<8192x64xf32, #tpu.memory_space<vmem>>, vector<8192x64xf32>,
    %eq3A = arith.constant 0 : i32
    %eq3A_19 = arith.cmpi eq, %arg0, %eq3A : i32
    %convert_element_type3A = arith.extui %eq3A_19 : i1 to i32
    %cond3A = arith.constant 0 : i32
    %cond3A_20 = arith.cmpi ne, %convert_element_type3A, %cond3A : i32
    scf.if %cond3A_20 {
      %broadcast_in_dim3A_40 = arith.constant 0.000000e+00 : f32
      %broadcast_in_dim3A_41 = vector.broadcast %broadcast_in_dim3A_40 : f32 to vector<8x64xf32>
      %swap3A_42 = arith.constant 0 : index
      %swap3A_43 = arith.constant 0 : index
      %swap3A_44 = vector.load %arg6[%swap3A_42, %swap3A_43] : memref<8x64xf32, #tpu.memory_space<vmem>>, vector<8x64xf32>
      tpu.vector_store %arg6[%swap3A_42, %swap3A_43], %broadcast_in_dim3A_41 {strides = array<i32>} : memref<8x64xf32, #tpu.memory_space<vmem>>, vector<8x64xf32>,
    } else {
    }
    %get3A_21 = arith.constant 0 : index
    %get3A_22 = arith.constant 0 : index
    %get3A_23 = vector.load %arg6[%get3A_21, %get3A_22] : memref<8x64xf32, #tpu.memory_space<vmem>>, vector<1x64xf32>
    %reduce_sum3A = arith.constant dense<0.000000e+00> : vector<64xf32>
    %reduce_sum3A_24 = vector.multi_reduction <add>, %sub3A, %reduce_sum3A [0] : vector<8192x64xf32> to vector<64xf32>
    %broadcast_in_dim3A_25 = vector.shape_cast %reduce_sum3A_24 : vector<64xf32> to vector<1x64xf32>
    %add3A_26 = arith.addf %get3A_23, %broadcast_in_dim3A_25 : vector<1x64xf32>
    %swap3A_27 = arith.constant 0 : index
    %swap3A_28 = arith.constant 0 : index
    %swap3A_29 = vector.load %arg6[%swap3A_27, %swap3A_28] : memref<8x64xf32, #tpu.memory_space<vmem>>, vector<1x64xf32>
    tpu.vector_store %arg6[%swap3A_27, %swap3A_28], %add3A_26 {strides = array<i32>} : memref<8x64xf32, #tpu.memory_space<vmem>>, vector<1x64xf32>,
    %get3A_30 = arith.constant 1 : index
    %get3A_31 = arith.constant 0 : index
    %get3A_32 = vector.load %arg6[%get3A_30, %get3A_31] : memref<8x64xf32, #tpu.memory_space<vmem>>, vector<1x64xf32>
    %mul3A = arith.mulf %sub3A, %sub3A : vector<8192x64xf32>
    %reduce_sum3A_33 = arith.constant dense<0.000000e+00> : vector<64xf32>
    %reduce_sum3A_34 = vector.multi_reduction <add>, %mul3A, %reduce_sum3A_33 [0] : vector<8192x64xf32> to vector<64xf32>
    %broadcast_in_dim3A_35 = vector.shape_cast %reduce_sum3A_34 : vector<64xf32> to vector<1x64xf32>
    %add3A_36 = arith.addf %get3A_32, %broadcast_in_dim3A_35 : vector<1x64xf32>
    %swap3A_37 = arith.constant 1 : index
    %swap3A_38 = arith.constant 0 : index
    %swap3A_39 = vector.load %arg6[%swap3A_37, %swap3A_38] : memref<8x64xf32, #tpu.memory_space<vmem>>, vector<1x64xf32>
    tpu.vector_store %arg6[%swap3A_37, %swap3A_38], %add3A_36 {strides = array<i32>} : memref<8x64xf32, #tpu.memory_space<vmem>>, vector<1x64xf32>,
    return
  }
  func.func @transform_0(%arg0: i32) -> (i32, i32) {
    %c0_i32 = arith.constant 0 : i32
    %c0_i32_0 = arith.constant 0 : i32
    return %arg0, %c0_i32 : i32, i32
  }
  func.func @transform_1(%arg0: i32) -> (i32, i32) {
    %c0_i32 = arith.constant 0 : i32
    %c0_i32_0 = arith.constant 0 : i32
    return %arg0, %c0_i32 : i32, i32
  }
  func.func @transform_2(%arg0: i32) -> (i32, i32) {
    %c0_i32 = arith.constant 0 : i32
    %c0_i32_0 = arith.constant 0 : i32
    %c0_i32_1 = arith.constant 0 : i32
    return %c0_i32, %c0_i32_0 : i32, i32
  }
  func.func @transform_3(%arg0: i32) -> (i32, i32) {
    %c0_i32 = arith.constant 0 : i32
    %c0_i32_0 = arith.constant 0 : i32
    %c0_i32_1 = arith.constant 0 : i32
    return %c0_i32, %c0_i32_0 : i32, i32
  }
  func.func @transform_4(%arg0: i32) -> (i32, i32) {
    %c0_i32 = arith.constant 0 : i32
    %c0_i32_0 = arith.constant 0 : i32
    return %arg0, %c0_i32 : i32, i32
  }
  func.func @transform_5(%arg0: i32) -> (i32, i32) {
    %c0_i32 = arith.constant 0 : i32
    %c0_i32_0 = arith.constant 0 : i32
    %c0_i32_1 = arith.constant 0 : i32
    return %c0_i32, %c0_i32_0 : i32, i32
  }
}

module attributes {stable_mosaic.version = 14 : i64} {
  func.func @_mlp_body(%arg0: i32, %arg1: memref<8192x64xf32, #tpu.memory_space<vmem>>, %arg2: memref<1x64xf32, #tpu.memory_space<vmem>>, %arg3: memref<1x64xf32, #tpu.memory_space<vmem>>, %arg4: memref<64x64xf32, #tpu.memory_space<vmem>>, %arg5: memref<1x64xf32, #tpu.memory_space<vmem>>, %arg6: memref<8192x64xf32, #tpu.memory_space<vmem>>, %arg7: memref<8x64xf32, #tpu.memory_space<vmem>>) attributes {dimension_semantics = [#tpu.dimension_semantics<arbitrary>], iteration_bounds = array<i64: 16>, scalar_prefetch = 0 : i64, scratch_operands = 0 : i64, tpu.core_type = #tpu.core_type<tc>, window_params = [{transform_indices = @transform_0, window_bounds = array<i64: 8192, 64>}, {pipeline_mode = #tpu.pipeline_mode<synchronous>, transform_indices = @transform_1, window_bounds = array<i64: 1, 64>}, {pipeline_mode = #tpu.pipeline_mode<synchronous>, transform_indices = @transform_2, window_bounds = array<i64: 1, 64>}, {pipeline_mode = #tpu.pipeline_mode<synchronous>, transform_indices = @transform_3, window_bounds = array<i64: 64, 64>}, {pipeline_mode = #tpu.pipeline_mode<synchronous>, transform_indices = @transform_4, window_bounds = array<i64: 1, 64>}, {transform_indices = @transform_5, window_bounds = array<i64: 8192, 64>}, {pipeline_mode = #tpu.pipeline_mode<synchronous>, transform_indices = @transform_6, window_bounds = array<i64: 8, 64>}]} {
    %get3A = arith.constant 0 : index
    %get3A_0 = arith.constant 0 : index
    %get3A_1 = vector.load %arg1[%get3A, %get3A_0] : memref<8192x64xf32, #tpu.memory_space<vmem>>, vector<8192x64xf32>
    %get3A_2 = arith.constant 0 : index
    %get3A_3 = arith.constant 0 : index
    %get3A_4 = vector.load %arg2[%get3A_2, %get3A_3] : memref<1x64xf32, #tpu.memory_space<vmem>>, vector<1x64xf32>
    %mul3A = vector.broadcast %get3A_4 : vector<1x64xf32> to vector<8192x64xf32>
    %mul3A_5 = arith.mulf %get3A_1, %mul3A : vector<8192x64xf32>
    %get3A_6 = arith.constant 0 : index
    %get3A_7 = arith.constant 0 : index
    %get3A_8 = vector.load %arg3[%get3A_6, %get3A_7] : memref<1x64xf32, #tpu.memory_space<vmem>>, vector<1x64xf32>
    %add3A = vector.broadcast %get3A_8 : vector<1x64xf32> to vector<8192x64xf32>
    %add3A_9 = arith.addf %mul3A_5, %add3A : vector<8192x64xf32>
    %max3A = arith.constant 0.000000e+00 : f32
    %max3A_10 = vector.broadcast %max3A : f32 to vector<8192x64xf32>
    %max3A_11 = arith.maximumf %add3A_9, %max3A_10 : vector<8192x64xf32>
    %get3A_12 = arith.constant 0 : index
    %get3A_13 = arith.constant 0 : index
    %get3A_14 = vector.load %arg4[%get3A_12, %get3A_13] : memref<64x64xf32, #tpu.memory_space<vmem>>, vector<64x64xf32>
    %dot_general3A = arith.constant dense<0.000000e+00> : vector<8192x64xf32>
    %dot_general3A_15 = tpu.matmul %max3A_11, %get3A_14, %dot_general3A {dimension_numbers = #tpu.dot_dimension_numbers<[1], [0], [0], [1], [0, 0, 1, 1], [], []>, transpose_lhs_hint = false} : vector<8192x64xf32>, vector<64x64xf32>, vector<8192x64xf32> -> vector<8192x64xf32>
    %get3A_16 = arith.constant 0 : index
    %get3A_17 = arith.constant 0 : index
    %get3A_18 = vector.load %arg5[%get3A_16, %get3A_17] : memref<1x64xf32, #tpu.memory_space<vmem>>, vector<1x64xf32>
    %add3A_19 = vector.broadcast %get3A_18 : vector<1x64xf32> to vector<8192x64xf32>
    %add3A_20 = arith.addf %dot_general3A_15, %add3A_19 : vector<8192x64xf32>
    %swap3A = arith.constant 0 : index
    %swap3A_21 = arith.constant 0 : index
    %swap3A_22 = vector.load %arg6[%swap3A, %swap3A_21] : memref<8192x64xf32, #tpu.memory_space<vmem>>, vector<8192x64xf32>
    tpu.vector_store %arg6[%swap3A, %swap3A_21], %add3A_20 {strides = array<i32>} : memref<8192x64xf32, #tpu.memory_space<vmem>>, vector<8192x64xf32>,
    %eq3A = arith.constant 0 : i32
    %eq3A_23 = arith.cmpi eq, %arg0, %eq3A : i32
    %convert_element_type3A = arith.extui %eq3A_23 : i1 to i32
    %cond3A = arith.constant 0 : i32
    %cond3A_24 = arith.cmpi ne, %convert_element_type3A, %cond3A : i32
    scf.if %cond3A_24 {
      %broadcast_in_dim3A_44 = arith.constant 0.000000e+00 : f32
      %broadcast_in_dim3A_45 = vector.broadcast %broadcast_in_dim3A_44 : f32 to vector<8x64xf32>
      %swap3A_46 = arith.constant 0 : index
      %swap3A_47 = arith.constant 0 : index
      %swap3A_48 = vector.load %arg7[%swap3A_46, %swap3A_47] : memref<8x64xf32, #tpu.memory_space<vmem>>, vector<8x64xf32>
      tpu.vector_store %arg7[%swap3A_46, %swap3A_47], %broadcast_in_dim3A_45 {strides = array<i32>} : memref<8x64xf32, #tpu.memory_space<vmem>>, vector<8x64xf32>,
    } else {
    }
    %get3A_25 = arith.constant 0 : index
    %get3A_26 = arith.constant 0 : index
    %get3A_27 = vector.load %arg7[%get3A_25, %get3A_26] : memref<8x64xf32, #tpu.memory_space<vmem>>, vector<1x64xf32>
    %reduce_sum3A = arith.constant dense<0.000000e+00> : vector<64xf32>
    %reduce_sum3A_28 = vector.multi_reduction <add>, %add3A_20, %reduce_sum3A [0] : vector<8192x64xf32> to vector<64xf32>
    %broadcast_in_dim3A = vector.shape_cast %reduce_sum3A_28 : vector<64xf32> to vector<1x64xf32>
    %add3A_29 = arith.addf %get3A_27, %broadcast_in_dim3A : vector<1x64xf32>
    %swap3A_30 = arith.constant 0 : index
    %swap3A_31 = arith.constant 0 : index
    %swap3A_32 = vector.load %arg7[%swap3A_30, %swap3A_31] : memref<8x64xf32, #tpu.memory_space<vmem>>, vector<1x64xf32>
    tpu.vector_store %arg7[%swap3A_30, %swap3A_31], %add3A_29 {strides = array<i32>} : memref<8x64xf32, #tpu.memory_space<vmem>>, vector<1x64xf32>,
    %get3A_33 = arith.constant 1 : index
    %get3A_34 = arith.constant 0 : index
    %get3A_35 = vector.load %arg7[%get3A_33, %get3A_34] : memref<8x64xf32, #tpu.memory_space<vmem>>, vector<1x64xf32>
    %mul3A_36 = arith.mulf %add3A_20, %add3A_20 : vector<8192x64xf32>
    %reduce_sum3A_37 = arith.constant dense<0.000000e+00> : vector<64xf32>
    %reduce_sum3A_38 = vector.multi_reduction <add>, %mul3A_36, %reduce_sum3A_37 [0] : vector<8192x64xf32> to vector<64xf32>
    %broadcast_in_dim3A_39 = vector.shape_cast %reduce_sum3A_38 : vector<64xf32> to vector<1x64xf32>
    %add3A_40 = arith.addf %get3A_35, %broadcast_in_dim3A_39 : vector<1x64xf32>
    %swap3A_41 = arith.constant 1 : index
    %swap3A_42 = arith.constant 0 : index
    %swap3A_43 = vector.load %arg7[%swap3A_41, %swap3A_42] : memref<8x64xf32, #tpu.memory_space<vmem>>, vector<1x64xf32>
    tpu.vector_store %arg7[%swap3A_41, %swap3A_42], %add3A_40 {strides = array<i32>} : memref<8x64xf32, #tpu.memory_space<vmem>>, vector<1x64xf32>,
    return
  }
  func.func @transform_0(%arg0: i32) -> (i32, i32) {
    %c0_i32 = arith.constant 0 : i32
    %c0_i32_0 = arith.constant 0 : i32
    return %arg0, %c0_i32 : i32, i32
  }
  func.func @transform_1(%arg0: i32) -> (i32, i32) {
    %c0_i32 = arith.constant 0 : i32
    %c0_i32_0 = arith.constant 0 : i32
    %c0_i32_1 = arith.constant 0 : i32
    return %c0_i32, %c0_i32_0 : i32, i32
  }
  func.func @transform_2(%arg0: i32) -> (i32, i32) {
    %c0_i32 = arith.constant 0 : i32
    %c0_i32_0 = arith.constant 0 : i32
    %c0_i32_1 = arith.constant 0 : i32
    return %c0_i32, %c0_i32_0 : i32, i32
  }
  func.func @transform_3(%arg0: i32) -> (i32, i32) {
    %c0_i32 = arith.constant 0 : i32
    %c0_i32_0 = arith.constant 0 : i32
    %c0_i32_1 = arith.constant 0 : i32
    return %c0_i32, %c0_i32_0 : i32, i32
  }
  func.func @transform_4(%arg0: i32) -> (i32, i32) {
    %c0_i32 = arith.constant 0 : i32
    %c0_i32_0 = arith.constant 0 : i32
    %c0_i32_1 = arith.constant 0 : i32
    return %c0_i32, %c0_i32_0 : i32, i32
  }
  func.func @transform_5(%arg0: i32) -> (i32, i32) {
    %c0_i32 = arith.constant 0 : i32
    %c0_i32_0 = arith.constant 0 : i32
    return %arg0, %c0_i32 : i32, i32
  }
  func.func @transform_6(%arg0: i32) -> (i32, i32) {
    %c0_i32 = arith.constant 0 : i32
    %c0_i32_0 = arith.constant 0 : i32
    %c0_i32_1 = arith.constant 0 : i32
    return %c0_i32, %c0_i32_0 : i32, i32
  }
}

module attributes {stable_mosaic.version = 14 : i64} {
  func.func @_mlp_body(%arg0: i32, %arg1: memref<8192x64xf32, #tpu.memory_space<vmem>>, %arg2: memref<1x64xf32, #tpu.memory_space<vmem>>, %arg3: memref<1x64xf32, #tpu.memory_space<vmem>>, %arg4: memref<64x128xf32, #tpu.memory_space<vmem>>, %arg5: memref<1x128xf32, #tpu.memory_space<vmem>>, %arg6: memref<8192x128xf32, #tpu.memory_space<vmem>>, %arg7: memref<8x128xf32, #tpu.memory_space<vmem>>) attributes {dimension_semantics = [#tpu.dimension_semantics<arbitrary>], iteration_bounds = array<i64: 16>, scalar_prefetch = 0 : i64, scratch_operands = 0 : i64, tpu.core_type = #tpu.core_type<tc>, window_params = [{transform_indices = @transform_0, window_bounds = array<i64: 8192, 64>}, {pipeline_mode = #tpu.pipeline_mode<synchronous>, transform_indices = @transform_1, window_bounds = array<i64: 1, 64>}, {pipeline_mode = #tpu.pipeline_mode<synchronous>, transform_indices = @transform_2, window_bounds = array<i64: 1, 64>}, {pipeline_mode = #tpu.pipeline_mode<synchronous>, transform_indices = @transform_3, window_bounds = array<i64: 64, 128>}, {pipeline_mode = #tpu.pipeline_mode<synchronous>, transform_indices = @transform_4, window_bounds = array<i64: 1, 128>}, {transform_indices = @transform_5, window_bounds = array<i64: 8192, 128>}, {pipeline_mode = #tpu.pipeline_mode<synchronous>, transform_indices = @transform_6, window_bounds = array<i64: 8, 128>}]} {
    %get3A = arith.constant 0 : index
    %get3A_0 = arith.constant 0 : index
    %get3A_1 = vector.load %arg1[%get3A, %get3A_0] : memref<8192x64xf32, #tpu.memory_space<vmem>>, vector<8192x64xf32>
    %get3A_2 = arith.constant 0 : index
    %get3A_3 = arith.constant 0 : index
    %get3A_4 = vector.load %arg2[%get3A_2, %get3A_3] : memref<1x64xf32, #tpu.memory_space<vmem>>, vector<1x64xf32>
    %mul3A = vector.broadcast %get3A_4 : vector<1x64xf32> to vector<8192x64xf32>
    %mul3A_5 = arith.mulf %get3A_1, %mul3A : vector<8192x64xf32>
    %get3A_6 = arith.constant 0 : index
    %get3A_7 = arith.constant 0 : index
    %get3A_8 = vector.load %arg3[%get3A_6, %get3A_7] : memref<1x64xf32, #tpu.memory_space<vmem>>, vector<1x64xf32>
    %add3A = vector.broadcast %get3A_8 : vector<1x64xf32> to vector<8192x64xf32>
    %add3A_9 = arith.addf %mul3A_5, %add3A : vector<8192x64xf32>
    %max3A = arith.constant 0.000000e+00 : f32
    %max3A_10 = vector.broadcast %max3A : f32 to vector<8192x64xf32>
    %max3A_11 = arith.maximumf %add3A_9, %max3A_10 : vector<8192x64xf32>
    %get3A_12 = arith.constant 0 : index
    %get3A_13 = arith.constant 0 : index
    %get3A_14 = vector.load %arg4[%get3A_12, %get3A_13] : memref<64x128xf32, #tpu.memory_space<vmem>>, vector<64x128xf32>
    %dot_general3A = arith.constant dense<0.000000e+00> : vector<8192x128xf32>
    %dot_general3A_15 = tpu.matmul %max3A_11, %get3A_14, %dot_general3A {dimension_numbers = #tpu.dot_dimension_numbers<[1], [0], [0], [1], [0, 0, 1, 1], [], []>, transpose_lhs_hint = false} : vector<8192x64xf32>, vector<64x128xf32>, vector<8192x128xf32> -> vector<8192x128xf32>
    %get3A_16 = arith.constant 0 : index
    %get3A_17 = arith.constant 0 : index
    %get3A_18 = vector.load %arg5[%get3A_16, %get3A_17] : memref<1x128xf32, #tpu.memory_space<vmem>>, vector<1x128xf32>
    %add3A_19 = vector.broadcast %get3A_18 : vector<1x128xf32> to vector<8192x128xf32>
    %add3A_20 = arith.addf %dot_general3A_15, %add3A_19 : vector<8192x128xf32>
    %swap3A = arith.constant 0 : index
    %swap3A_21 = arith.constant 0 : index
    %swap3A_22 = vector.load %arg6[%swap3A, %swap3A_21] : memref<8192x128xf32, #tpu.memory_space<vmem>>, vector<8192x128xf32>
    tpu.vector_store %arg6[%swap3A, %swap3A_21], %add3A_20 {strides = array<i32>} : memref<8192x128xf32, #tpu.memory_space<vmem>>, vector<8192x128xf32>,
    %eq3A = arith.constant 0 : i32
    %eq3A_23 = arith.cmpi eq, %arg0, %eq3A : i32
    %convert_element_type3A = arith.extui %eq3A_23 : i1 to i32
    %cond3A = arith.constant 0 : i32
    %cond3A_24 = arith.cmpi ne, %convert_element_type3A, %cond3A : i32
    scf.if %cond3A_24 {
      %broadcast_in_dim3A_44 = arith.constant 0.000000e+00 : f32
      %broadcast_in_dim3A_45 = vector.broadcast %broadcast_in_dim3A_44 : f32 to vector<8x128xf32>
      %swap3A_46 = arith.constant 0 : index
      %swap3A_47 = arith.constant 0 : index
      %swap3A_48 = vector.load %arg7[%swap3A_46, %swap3A_47] : memref<8x128xf32, #tpu.memory_space<vmem>>, vector<8x128xf32>
      tpu.vector_store %arg7[%swap3A_46, %swap3A_47], %broadcast_in_dim3A_45 {strides = array<i32>} : memref<8x128xf32, #tpu.memory_space<vmem>>, vector<8x128xf32>,
    } else {
    }
    %get3A_25 = arith.constant 0 : index
    %get3A_26 = arith.constant 0 : index
    %get3A_27 = vector.load %arg7[%get3A_25, %get3A_26] : memref<8x128xf32, #tpu.memory_space<vmem>>, vector<1x128xf32>
    %reduce_sum3A = arith.constant dense<0.000000e+00> : vector<128xf32>
    %reduce_sum3A_28 = vector.multi_reduction <add>, %add3A_20, %reduce_sum3A [0] : vector<8192x128xf32> to vector<128xf32>
    %broadcast_in_dim3A = vector.shape_cast %reduce_sum3A_28 : vector<128xf32> to vector<1x128xf32>
    %add3A_29 = arith.addf %get3A_27, %broadcast_in_dim3A : vector<1x128xf32>
    %swap3A_30 = arith.constant 0 : index
    %swap3A_31 = arith.constant 0 : index
    %swap3A_32 = vector.load %arg7[%swap3A_30, %swap3A_31] : memref<8x128xf32, #tpu.memory_space<vmem>>, vector<1x128xf32>
    tpu.vector_store %arg7[%swap3A_30, %swap3A_31], %add3A_29 {strides = array<i32>} : memref<8x128xf32, #tpu.memory_space<vmem>>, vector<1x128xf32>,
    %get3A_33 = arith.constant 1 : index
    %get3A_34 = arith.constant 0 : index
    %get3A_35 = vector.load %arg7[%get3A_33, %get3A_34] : memref<8x128xf32, #tpu.memory_space<vmem>>, vector<1x128xf32>
    %mul3A_36 = arith.mulf %add3A_20, %add3A_20 : vector<8192x128xf32>
    %reduce_sum3A_37 = arith.constant dense<0.000000e+00> : vector<128xf32>
    %reduce_sum3A_38 = vector.multi_reduction <add>, %mul3A_36, %reduce_sum3A_37 [0] : vector<8192x128xf32> to vector<128xf32>
    %broadcast_in_dim3A_39 = vector.shape_cast %reduce_sum3A_38 : vector<128xf32> to vector<1x128xf32>
    %add3A_40 = arith.addf %get3A_35, %broadcast_in_dim3A_39 : vector<1x128xf32>
    %swap3A_41 = arith.constant 1 : index
    %swap3A_42 = arith.constant 0 : index
    %swap3A_43 = vector.load %arg7[%swap3A_41, %swap3A_42] : memref<8x128xf32, #tpu.memory_space<vmem>>, vector<1x128xf32>
    tpu.vector_store %arg7[%swap3A_41, %swap3A_42], %add3A_40 {strides = array<i32>} : memref<8x128xf32, #tpu.memory_space<vmem>>, vector<1x128xf32>,
    return
  }
  func.func @transform_0(%arg0: i32) -> (i32, i32) {
    %c0_i32 = arith.constant 0 : i32
    %c0_i32_0 = arith.constant 0 : i32
    return %arg0, %c0_i32 : i32, i32
  }
  func.func @transform_1(%arg0: i32) -> (i32, i32) {
    %c0_i32 = arith.constant 0 : i32
    %c0_i32_0 = arith.constant 0 : i32
    %c0_i32_1 = arith.constant 0 : i32
    return %c0_i32, %c0_i32_0 : i32, i32
  }
  func.func @transform_2(%arg0: i32) -> (i32, i32) {
    %c0_i32 = arith.constant 0 : i32
    %c0_i32_0 = arith.constant 0 : i32
    %c0_i32_1 = arith.constant 0 : i32
    return %c0_i32, %c0_i32_0 : i32, i32
  }
  func.func @transform_3(%arg0: i32) -> (i32, i32) {
    %c0_i32 = arith.constant 0 : i32
    %c0_i32_0 = arith.constant 0 : i32
    %c0_i32_1 = arith.constant 0 : i32
    return %c0_i32, %c0_i32_0 : i32, i32
  }
  func.func @transform_4(%arg0: i32) -> (i32, i32) {
    %c0_i32 = arith.constant 0 : i32
    %c0_i32_0 = arith.constant 0 : i32
    %c0_i32_1 = arith.constant 0 : i32
    return %c0_i32, %c0_i32_0 : i32, i32
  }
  func.func @transform_5(%arg0: i32) -> (i32, i32) {
    %c0_i32 = arith.constant 0 : i32
    %c0_i32_0 = arith.constant 0 : i32
    return %arg0, %c0_i32 : i32, i32
  }
  func.func @transform_6(%arg0: i32) -> (i32, i32) {
    %c0_i32 = arith.constant 0 : i32
    %c0_i32_0 = arith.constant 0 : i32
    %c0_i32_1 = arith.constant 0 : i32
    return %c0_i32, %c0_i32_0 : i32, i32
  }
}

module attributes {stable_mosaic.version = 14 : i64} {
  func.func @_pool_body(%arg0: i32, %arg1: memref<8192x128xf32, #tpu.memory_space<vmem>>, %arg2: memref<1x128xf32, #tpu.memory_space<vmem>>, %arg3: memref<1x128xf32, #tpu.memory_space<vmem>>, %arg4: memref<256x128xf32, #tpu.memory_space<vmem>>) attributes {dimension_semantics = [#tpu.dimension_semantics<arbitrary>], iteration_bounds = array<i64: 16>, scalar_prefetch = 0 : i64, scratch_operands = 0 : i64, tpu.core_type = #tpu.core_type<tc>, window_params = [{transform_indices = @transform_0, window_bounds = array<i64: 8192, 128>}, {pipeline_mode = #tpu.pipeline_mode<synchronous>, transform_indices = @transform_1, window_bounds = array<i64: 1, 128>}, {pipeline_mode = #tpu.pipeline_mode<synchronous>, transform_indices = @transform_2, window_bounds = array<i64: 1, 128>}, {transform_indices = @transform_3, window_bounds = array<i64: 256, 128>}]} {
    %get3A = arith.constant 0 : index
    %get3A_0 = arith.constant 0 : index
    %get3A_1 = vector.load %arg1[%get3A, %get3A_0] : memref<8192x128xf32, #tpu.memory_space<vmem>>, vector<8192x128xf32>
    %get3A_2 = arith.constant 0 : index
    %get3A_3 = arith.constant 0 : index
    %get3A_4 = vector.load %arg2[%get3A_2, %get3A_3] : memref<1x128xf32, #tpu.memory_space<vmem>>, vector<1x128xf32>
    %mul3A = vector.broadcast %get3A_4 : vector<1x128xf32> to vector<8192x128xf32>
    %mul3A_5 = arith.mulf %get3A_1, %mul3A : vector<8192x128xf32>
    %get3A_6 = arith.constant 0 : index
    %get3A_7 = arith.constant 0 : index
    %get3A_8 = vector.load %arg3[%get3A_6, %get3A_7] : memref<1x128xf32, #tpu.memory_space<vmem>>, vector<1x128xf32>
    %add3A = vector.broadcast %get3A_8 : vector<1x128xf32> to vector<8192x128xf32>
    %add3A_9 = arith.addf %mul3A_5, %add3A : vector<8192x128xf32>
    %max3A = arith.constant 0.000000e+00 : f32
    %max3A_10 = vector.broadcast %max3A : f32 to vector<8192x128xf32>
    %max3A_11 = arith.maximumf %add3A_9, %max3A_10 : vector<8192x128xf32>
    %reshape3A = vector.shape_cast %max3A_11 : vector<8192x128xf32> to vector<256x32x128xf32>
    %reduce_max3A = arith.constant dense<0xFF800000> : vector<256x128xf32>
    %reduce_max3A_12 = vector.multi_reduction <maximumf>, %reshape3A, %reduce_max3A [1] : vector<256x32x128xf32> to vector<256x128xf32>
    %swap3A = arith.constant 0 : index
    %swap3A_13 = arith.constant 0 : index
    %swap3A_14 = vector.load %arg4[%swap3A, %swap3A_13] : memref<256x128xf32, #tpu.memory_space<vmem>>, vector<256x128xf32>
    tpu.vector_store %arg4[%swap3A, %swap3A_13], %reduce_max3A_12 {strides = array<i32>} : memref<256x128xf32, #tpu.memory_space<vmem>>, vector<256x128xf32>,
    return
  }
  func.func @transform_0(%arg0: i32) -> (i32, i32) {
    %c0_i32 = arith.constant 0 : i32
    %c0_i32_0 = arith.constant 0 : i32
    return %arg0, %c0_i32 : i32, i32
  }
  func.func @transform_1(%arg0: i32) -> (i32, i32) {
    %c0_i32 = arith.constant 0 : i32
    %c0_i32_0 = arith.constant 0 : i32
    %c0_i32_1 = arith.constant 0 : i32
    return %c0_i32, %c0_i32_0 : i32, i32
  }
  func.func @transform_2(%arg0: i32) -> (i32, i32) {
    %c0_i32 = arith.constant 0 : i32
    %c0_i32_0 = arith.constant 0 : i32
    %c0_i32_1 = arith.constant 0 : i32
    return %c0_i32, %c0_i32_0 : i32, i32
  }
  func.func @transform_3(%arg0: i32) -> (i32, i32) {
    %c0_i32 = arith.constant 0 : i32
    %c0_i32_0 = arith.constant 0 : i32
    return %arg0, %c0_i32 : i32, i32
  }
}

</mosaic_0001>

<sc_bundles>
// kernel: kernel.9.cloned.1.call-start
scs
__scs_entry_jumppad:
0x0: {  	(pc) =	sbr.rel $0x88, $3  }
0x1: {  	(tag) =	ssettag $0x0;
	lr =	simm.s32 $0x1  }
0x2: {  	[smem:$0x3F93] =	sst lr;
	_ =	strace $0xD0000000  }
0x3: {  	_ = 	snop  }
0x4: {  	_ = 	snop  }
0x5: {  	_ = 	snop  }
0x6: {  	_ = 	snop  }
0x7: {  	_ = 	snop  }
__scs_overlays_trampoline_lowered:
0x8: {  	[smem:$0x3FA2] =	sst s0  }
0x9: {  	[smem:$0x3FA3] =	sst s1  }
0xa: {  	[smem:$0x3FA4] =	sst s2  }
0xb: {  	[smem:$0x3FA5] =	sst s3  }
0xc: {  	[smem:$0x3FA6] =	sst s4  }
0xd: {  	[smem:$0x3FA7] =	sst s5  }
0xe: {  	[smem:$0x3FA8] =	sst s6  }
0xf: {  	[smem:$0x3FA9] =	sst s7  }
0x10: {  	[smem:$0x3FAA] =	sst s8  }
0x11: {  	[smem:$0x3FAB] =	sst s9;
	s0 =	simm.s32 @!p0 $0x0  }
0x12: {  	s1 =	sld [smem:$0x3F91];
	s0 =	simm.s32 @p0 $0x1  }
0x13: {  	[smem:$0x3FAC] =	sst s0;
	s0 =	simm.s32 @!p1 $0x0  }
0x14: {  	s2 =	sld [smem:$0x3F90];
	s0 =	simm.s32 @p1 $0x1  }
0x15: {  	[smem:$0x3FAD] =	sst s0;
	s0 =	simm.s32 @!p2 $0x0  }
0x16: {  	s3 =	sld [smem:$0x3FDB];
	s0 =	simm.s32 @p2 $0x1  }
0x17: {  	s4 =	simm.s32 $0x1BF5;
	[smem:$0x3FAF] =	sst s0  }
0x18: {  	s0 =	sld [smem:$0x3F92];
	_ =	swait.ge [sflag:s4], $0x0  }
0x19: {  	s7 =	sld [smem:$0x3F93]  }
0x1a: {  	s8 =	sadd.s32 $0xFFFFE003, lr  }
0x1b: {  	s9 =	sadd.s32 $0xFFFFFEF7, lr;
	s5 =	simm.s32 $0xFFFFFFFF;
	p2 =	slt.u32 s8, $0xFFFFF086  }
0x1c: {  	p1 =	slt.u32 s9, $0xF7A;
	s5 =	simm.s32 @!p2 $0x0  }
0x1d: {  	s5 =	simm.s32 @p1 $0x1;
	p0 =	seq.s32 s7, s2  }
0x1e: {  	s7 =	smul.u32 @!p0 $0xF7A, s2;
	p2 =	seq.s32 @!p0 s5, $0x0  }
0x1f: {  	s9 =	smul.u32 $0xF7A, s1;
	s8 =	simm.s32 @!p0 $0x1BF5;
	p2 =	por !p2, p0  }
0x20: {  	[sflag:s8] =	ssyncset.s32 @!p0 $0xFFFFF086;
	s6 =	sadd.s32 @!p0 s3, s7;
	s7 =	simm.s32 @!p0 $0x108  }
0x21: {  	s3 =	sadd.s32 s3, s9;
	s6 =	sadd.s32 @!p0 $0x88, s6;
	s7 =	simm.s32 @p2 $0x1082  }
0x22: {  	[simem:s7], [sflag:s8] =	dma.local @!p0 [hbm:s6], $0xF7A  }
0x23: {  	s9 =	sor.u32 $0xD0000000, s2;
	s6 =	simm.s32 $0x108;
	_ =	swait.ge @!p0 [sflag:s8], $0x0  }
0x24: {  	s3 =	sadd.s32 $0x88, s3;
	s6 =	simm.s32 @!p1 $0x1082;
	[sflag:s4] =	ssyncset.s32 $0xFFFFF086  }
0x25: {  	[simem:s6], [sflag:s4] =	dma.local [hbm:s3], $0xF7A  }
0x26: {  	[smem:$0x3F93] =	sst s1;
	(tag) =	ssettag s2;
	_ =	strace s9  }
0x27: {  	s1 =	sld [smem:$0x3FA3]  }
0x28: {  	s2 =	sld [smem:$0x3FA4]  }
0x29: {  	s4 =	sld [smem:$0x3FA6]  }
0x2a: {  	p0 =	seq.s32 s5, $0x0;
	s5 =	sld [smem:$0x3FA7]  }
0x2b: {  	s6 =	sld [smem:$0x3FA8]  }
0x2c: {  	s7 =	sld [smem:$0x3FA9]  }
0x2d: {  	s3 =	simm.s32 $0x108;
	s8 =	sld [smem:$0x3FAA]  }
0x2e: {  	s3 =	simm.s32 @!p0 $0x1082;
	s9 =	sld [smem:$0x3FAB]  }
0x2f: {  	lr =	sadd.s32 s0, s3;
	s0 =	sld [smem:$0x3FA2]  }
0x30: {  	s3 =	sld [smem:$0x3FA5]  }
0x31: {  	[smem:$0x3FAE] =	sst s10  }
0x32: {  	s10 =	sld [smem:$0x3FAC];
	_ =	sdelay $0x3  }
0x33: {  	p0 =	seq.s32 s10, $0x1;
	s10 =	sld [smem:$0x3FAE];
	_ =	sdelay $0x3  }
0x34: {  	[smem:$0x3FAE] =	sst s10  }
0x35: {  	s10 =	sld [smem:$0x3FAD];
	_ =	sdelay $0x3  }
0x36: {  	p1 =	seq.s32 s10, $0x1;
	s10 =	sld [smem:$0x3FAE];
	_ =	sdelay $0x3  }
0x37: {  	[smem:$0x3FAE] =	sst s10  }
0x38: {  	s10 =	sld [smem:$0x3FAF]  }
0x39: {  	_ = 	snop;
	(pc) =	sbr.ind lr, $3  }
0x3a: {  	_ = 	snop  }
0x3b: {  	_ = 	snop  }
0x3c: {  	p2 =	seq.s32 s10, $0x1;
	s10 =	sld [smem:$0x3FAE]  }
0x3d: {  	_ =	shalt  }
0x3e: {  	_ =	shalt  }
0x3f: {  	_ =	shalt  }
0x40: {  	_ =	shalt  }
0x41: {  	_ =	shalt  }
0x42: {  	_ =	shalt  }
0x43: {  	_ =	shalt  }
0x44: {  	_ =	shalt  }
0x45: {  	_ =	shalt  }
0x46: {  	_ =	shalt  }
0x47: {  	_ =	shalt  }
0x48: {  	_ =	shalt  }
0x49: {  	_ =	shalt  }
0x4a: {  	_ =	shalt  }
0x4b: {  	_ =	shalt  }
0x4c: {  	_ =	shalt  }
0x4d: {  	_ =	shalt  }
0x4e: {  	_ =	shalt  }
0x4f: {  	_ =	shalt  }
0x50: {  	_ =	shalt  }
0x51: {  	_ =	shalt  }
0x52: {  	_ =	shalt  }
0x53: {  	_ =	shalt  }
0x54: {  	_ =	shalt  }
0x55: {  	_ =	shalt  }
0x56: {  	_ =	shalt  }
0x57: {  	_ =	shalt  }
0x58: {  	_ =	shalt  }
0x59: {  	_ =	shalt  }
0x5a: {  	_ =	shalt  }
0x5b: {  	_ =	shalt  }
0x5c: {  	_ =	shalt  }
0x5d: {  	_ =	shalt  }
0x5e: {  	_ =	shalt  }
0x5f: {  	_ =	shalt  }
0x60: {  	_ =	shalt  }
0x61: {  	_ =	shalt  }
0x62: {  	_ =	shalt  }
0x63: {  	_ =	shalt  }
0x64: {  	_ =	shalt  }
0x65: {  	_ =	shalt  }
0x66: {  	_ =	shalt  }
0x67: {  	_ =	shalt  }
0x68: {  	_ =	shalt  }
0x69: {  	_ =	shalt  }
0x6a: {  	_ =	shalt  }
0x6b: {  	_ =	shalt  }
0x6c: {  	_ =	shalt  }
0x6d: {  	_ =	shalt  }
0x6e: {  	_ =	shalt  }
0x6f: {  	_ =	shalt  }
0x70: {  	_ =	shalt  }
0x71: {  	_ =	shalt  }
0x72: {  	_ =	shalt  }
0x73: {  	_ =	shalt  }
0x74: {  	_ =	shalt  }
0x75: {  	_ =	shalt  }
0x76: {  	_ =	shalt  }
0x77: {  	_ =	shalt  }
0x78: {  	_ =	shalt  }
0x79: {  	_ =	shalt  }
0x7a: {  	_ =	shalt  }
0x7b: {  	_ =	shalt  }
0x7c: {  	_ =	shalt  }
0x7d: {  	_ =	shalt  }
0x7e: {  	_ =	shalt  }
0x7f: {  	_ =	shalt  }
0x80: {  	_ =	shalt  }
0x81: {  	_ =	shalt  }
0x82: {  	_ =	shalt  }
0x83: {  	_ =	shalt  }
0x84: {  	_ =	shalt  }
0x85: {  	_ =	shalt  }
0x86: {  	_ =	shalt  }
0x87: {  	_ =	shalt  }
.Lfunc_end0:
.L_simem_size_0:
called_computation_lowered:
.L_overlay_start_0:
0x88: {  	s2 =	sld [smem:$0x3FD9]  }
0x89: {  	s3 =	sld [smem:$0x3FFE];
	_ =	sdelay $0x1  }
0x8a: {  	s1 =	srdreg.scid  }
0x8b: {  	s0 =	sand.u32 $0x1, s1  }
0x8c: {  	s14 =	sshll.u32 s0, $0xA;
	s2 =	sadd.s32 s3, s2  }
0x8d: {  	s2 =	sadd.s32 s2, s14  }
0x8e: {  	[smem:$0x3FBA] =	sst s2  }
0x8f: {  	_ = 	snop  }
0x90: {  	s2 =	sld [smem:$0x3FD0];
	_ =	sdelay $0x2  }
0x91: {  	s15 =	simm.s32 $0xA;
	s4 =	simm.s32 $0x10  }
0x92: {  	[smem:s4], [sflag:s15] =	dma.local [hbm:s2], $0x1  }
0x93: {  	_ =	swait.eq [sflag:s15], $0x1  }
0x94: {  	[sflag:s15] =	ssyncset.done $0x0  }
0x95: {  	[sflag:s15] =	ssyncadd.s32 $0xFFFFFFFF  }
0x96: {  	s16 =	sld [smem:$0x11];
	(tm) =	ssettm $0x1  }
0x97: {  	s17 =	sld [smem:$0x3FFB];
	_ =	sdelay $0x3  }
0x98: {  	_ =	strace s17  }
0x99: {  	s3 =	sld [smem:$0x3FFC];
	_ =	sdelay $0x3  }
0x9a: {  	_ =	strace s3  }
0x9b: {  	s3 =	sld [smem:$0x3FFD];
	_ =	sdelay $0x3  }
0x9c: {  	_ =	strace s3  }
0x9d: {  	_ =	strace $0x8FFFFFFF  }
0x9e: {  	s18 =	sld [smem:$0x3FDB];
	_ =	sdelay $0x1  }
0x9f: {  	s19 =	simm.s32 $_scs_section_size  }
0xa0: {  	s5 =	simm.s32 $_size__tile_overlayer_lowered;
	s6 =	simm.s32 $_tile_overlayer_lowered  }
0xa1: {  	s22 =	simm.s32 $0x1BFF;
	s21 =	sshll.u32 s6, $0x1;
	s3 =	sadd.s32 s19, s18  }
0xa2: {  	s7 =	simm.s32 $0x0;
	s20 =	sshll.u32 s5, $0x1;
	s5 =	sadd.s32 s21, s3  }
0xa3: {  	[timem:s7], [sflag:s22] =	dma.local [hbm:s5], s20  }
0xa4: {  	_ =	swait.ge [sflag:s22], s20  }
0xa5: {  	s4 =	ssub.s32 $0x0, s20;
	[sflag:s22] =	ssyncset.done $0x0  }
0xa6: {  	[sflag:s22] =	ssyncadd.s32 s4;
	_ =	sdelay $0x1  }
0xa7: {  	s23 =	simm.s32 $0x1B8B  }
0xa8: {  	_ =	swait.ge [sflag:s23], $0x1  }
0xa9: {  	[sflag:s23] =	ssyncset.done $0x0  }
0xaa: {  	s25 =	simm.s32 $0x1B8E;
	s24 =	sld [smem:$0x3FFE];
	[sflag:s23] =	ssyncadd.s32 $0xFFFFFFFF  }
0xab: {  	s26 =	simm.s32 $execute0_lowered;
	[smem:$0x3FD2] =	sst s25  }
0xac: {  	s5 =	sshll.u32 s26, $0x1;
	_ =	strace $0x80000046;
	[dreg:$0x1] =	wrdreg $0xFFFFFFFF  }
0xad: {  	s28 =	simm.s32 $_size_execute0_lowered;
	s3 =	sadd.s32 s3, s5;
	[dreg:$0x0] =	wrdreg $0x0  }
0xae: {  	s5 =	sshll.u32 s28, $0x1;
	[dreg:$0x2] =	wrdreg s3  }
0xaf: {  	[dreg:$0x3] =	wrdreg s5  }
0xb0: {  	[dreg:$0x4] =	wrdreg $0xC0  }
0xb1: {  	_ =	task [dreg:s7], $0x5FFFF  }
0xb2: {  	[dreg:$0x1] =	wrdreg $0xFFFFFFFF  }
0xb3: {  	[dreg:$0x0] =	wrdreg $0x60  }
0xb4: {  	[dreg:$0x2] =	wrdreg s24  }
0xb5: {  	[dreg:$0x3] =	wrdreg s16  }
0xb6: {  	[dreg:$0x4] =	wrdreg $0x9  }
0xb7: {  	_ =	task.clear_ibuf [dreg:s7], $0x5FFFF;
	_ =	strace $0x90000046  }
0xb8: {  	s29 =	simm.s32 $0x9;
	_ =	strace $0x80000048  }
0xb9: {  	_ =	swait.ge [sflag:s29], $0x1  }
0xba: {  	[sflag:s29] =	ssyncadd.s32 $0xFFFFFFFF  }
0xbb: {  	_ =	strace $0x90000048  }
0xbc: {  	_ =	sfence  }
0xbd: {  	s30 =	sld [smem:$0x0];
	_ =	sdelay $0x2  }
0xbe: {  	s31 =	sshll.u32 s1, $0xD;
	s1 =	sshrl.u32 s1, $0x2  }
0xbf: {  	s3 =	sand.u32 $0x4000, s31;
	s1 =	sadd.s32 s1, s30  }
0xc0: {  	s0 =	sor.u32 s3, s0;
	s1 =	sshll.u32 s1, $0x11  }
0xc1: {  	s0 =	sor.u32 s1, s0  }
0xc2: {  	s0 =	sadd.s32 $0x8F2B, s0  }
0xc3: {  	[sflag:s0] =	ssyncadd.remote.s32 $0x1  }
0xc4: {  	_ =	sfence.sel $0xFFFF  }
0xc5: {  	[dreg:$0x0] =	wrdreg $0xFFFFFFFF;
	(pc) =	sbr.abs _section_cstart, $3  }
0xc6: {  	[dreg:$0x1] =	wrdreg $0xFFFFFFFF  }
0xc7: {  	_ =	task.clear_ibuf [dreg:s7], $0x2FFFF;
	_ =	strace $0x9FFFFFFF  }
0xc8: {  	(tm) =	ssettm $0x7FFFFFFF  }
0xc9: {  	_ =	shalt  }
tec
execute0_lowered:
.L_overlay_start_1:
0x0: {  	(tag) =	ssettag $0x1  }
0x1: {  	s4 =	rddreg [dreg:$0x0]  }
0x2: {  	s6 =	rddreg [dreg:$0x1]  }
0x3: {  	s0 =	rddreg [dreg:$0x2];
	s2 =	simm.s32 $0x0;
	s1 =	stileid.u32  }
0x4: {  	s3 =	srdreg.scid;
	[smem:$0x7FF] =	sst s2  }
0x5: {  	s5 =	sshll.u32 s1, $0x11;
	s7 =	sand.u32 $0x1, s3;
	s3 =	sadd.s32 $0x82C00, s4  }
0x6: {  	s9 =	sshll.u32 s1, $0xD;
	_ =	strace $0x80000047;
	s5 =	sadd.s32 s5, s4  }
0x7: {  	s29 =	ssub.s32 $0x2, s7;
	s10 =	sshll.u32 s7, $0xC;
	s7 =	sshll.u32 s7, $0x10  }
0x8: {  	s8 =	sshrl.u32 s29, $0x1;
	s30 =	sor.u32 s10, s9;
	s5 =	sadd.s32 s7, s5  }
0x9: {  	s7 =	simm.s32 $0x2;
	s9 =	simm.s32 $0x1;
	s10 =	simm.s32 $0x0  }
0xa: {  	s4 =	ssub.s32 s29, s8;
	s31 =	sshrl.u32 s30, $0x3;
	s5 =	sadd.s32 $0x102C00, s5  }
0xb: {  	s8 =	simm.s32 $0x80;
	s4 =	smax.u32 s4, $0x1;
	s6 =	sadd.s32 s31, s6  }
.LBB2_1:
0xc: {  	s11 =	sadd.s32 $0x0, s6  }
0xd: {  	[tilespmem:s2], [sflag:$0x2] =	stream.linear.gather [hbm4b:s11+s2], $0x80, $0x38;
	[tilespmem:$0x4080] =	vst v63  }
0xe: {  	_ =	swait.ge [sflag:s7], $0x80  }
0xf: {  	[sflag:s7] =	ssyncset.done $0x0  }
0x10: {  	[sflag:s7] =	ssyncadd.s32 $0xFFFFFF80  }
0x11: {  	[tilespmem:s8], [sflag:$0x1] =	stream.indirect.gather [hbm4b:s3+s8], $0x80, s2, s8, $0xb8;
	[tilespmem:$0x4080] =	vst v63  }
0x12: {  	_ =	swait.ge [sflag:s9], $0x4000  }
0x13: {  	[sflag:s9] =	ssyncset.done $0x0  }
0x14: {  	[sflag:s9] =	ssyncadd.s32 $0xFFFFC000  }
0x15: {  	[hbm4b:s5+s2] =	stream.linear.scatter [tilespmem:s8], [sflag:$0x2], $0x4000, $0x38;
	[tilespmem:$0x4080] =	vst v63  }
0x16: {  	s12 =	simm.s32 $0x10;
	_ =	swait.ge [sflag:s7], $0x4000  }
0x17: {  	s13 =	simm.s32 $0x20;
	s11 =	sadd.s32 $0x800, s5;
	[sflag:s7] =	ssyncset.done $0x0  }
.LBB2_2:
0x18: {  	s14 =	sadd.s32 s12, s6  }
0x19: {  	[sflag:s7] =	ssyncadd.s32 $0xFFFFC000;
	s12 =	smov.u32 s13;
	s15 =	sadd.s32 $0x10, s13  }
0x1a: {  	[tilespmem:s2], [sflag:$0x2] =	stream.linear.gather [hbm4b:s14+s2], $0x80, $0x38;
	[tilespmem:$0x4080] =	vst v63  }
0x1b: {  	p0 =	sne.s32 s13, $0x1F0;
	_ =	swait.ge [sflag:s7], $0x80  }
0x1c: {  	[sflag:s7] =	ssyncset.done $0x0  }
0x1d: {  	[sflag:s7] =	ssyncadd.s32 $0xFFFFFF80  }
0x1e: {  	[tilespmem:s8], [sflag:$0x1] =	stream.indirect.gather [hbm4b:s3+s8], $0x80, s2, s8, $0xb8;
	[tilespmem:$0x4080] =	vst v63  }
0x1f: {  	_ =	swait.ge [sflag:s9], $0x4000  }
.Ltmp0:
0x20: {  	[sflag:s9] =	ssyncset.done $0x0;
	(pc) =	sbr.rel @p0 .LBB2_2-.Ltmp0, $4  }
0x21: {  	[sflag:s9] =	ssyncadd.s32 $0xFFFFC000  }
0x22: {  	[hbm4b:s11+s2] =	stream.linear.scatter [tilespmem:s8], [sflag:$0x2], $0x4000, $0x38;
	[tilespmem:$0x4080] =	vst v63  }
0x23: {  	_ =	swait.ge [sflag:s7], $0x4000  }
0x24: {  	s13 =	smov.u32 s15;
	s11 =	sadd.s32 $0x800, s11;
	[sflag:s7] =	ssyncset.done $0x0  }
0x25: {  	s12 =	sadd.s32 s12, s6;
	[sflag:s7] =	ssyncadd.s32 $0xFFFFC000  }
0x26: {  	[tilespmem:s2], [sflag:$0x2] =	stream.linear.gather [hbm4b:s12+s2], $0x80, $0x38;
	[tilespmem:$0x4080] =	vst v63  }
0x27: {  	_ =	swait.ge [sflag:s7], $0x80  }
0x28: {  	[sflag:s7] =	ssyncset.done $0x0  }
0x29: {  	[sflag:s7] =	ssyncadd.s32 $0xFFFFFF80  }
0x2a: {  	[tilespmem:s8], [sflag:$0x1] =	stream.indirect.gather [hbm4b:s3+s8], $0x80, s2, s8, $0xb8;
	[tilespmem:$0x4080] =	vst v63  }
0x2b: {  	s10 =	sadd.s32 $0x1, s10;
	_ =	swait.ge [sflag:s9], $0x4000  }
0x2c: {  	p0 =	sne.s32 s10, s4;
	[sflag:s9] =	ssyncset.done $0x0  }
.Ltmp1:
0x2d: {  	[sflag:s9] =	ssyncadd.s32 $0xFFFFC000;
	(pc) =	sbr.rel @p0 .LBB2_1-.Ltmp1, $4  }
0x2e: {  	[hbm4b:s11+s2] =	stream.linear.scatter [tilespmem:s8], [sflag:$0x2], $0x4000, $0x38;
	[tilespmem:$0x4080] =	vst v63  }
0x2f: {  	_ =	swait.ge [sflag:s7], $0x4000  }
0x30: {  	[sflag:s7] =	ssyncset.done $0x0  }
0x31: {  	[sflag:s7] =	ssyncadd.s32 $0xFFFFC000  }
0x32: {  	_ =	sfence.sel $0x180000  }
0x33: {  	[bflag:$0x0] =	sbarrier.arrive $0xFFFF  }
0x34: {  	p0 =	sne.s32 s1, $0x0;
	_ =	strace $0x90000047  }
0x35: {  	s0 =	sadd.s32 @!p0 $0x100000, s0;
	[bflag:$0x2] =	sbarrier.arrive $0xFFFF  }
0x36: {  	[sflag:s0] =	ssyncadd.tile.s32 @!p0 $0x1;
	_ =	shalt  }
.Lfunc_end2:
_tile_overlayer_lowered:
.L_overlay_start_2:
0x37: {  	(tag) =	ssettag $0x2  }
0x38: {  	s0 =	rddreg [dreg:$0x0];
	s2 =	stileid.u32  }
0x39: {  	s1 =	rddreg [dreg:$0x1];
	p0 =	sne.s32 s2, $0x0  }
0x3a: {  	s3 =	rddreg [dreg:$0x2];
	[bflag:$0x3] =	sbarrier.arrive $0xFFFF;
	s2 =	simm.s32 @!p0 $0x1C02  }
0x3b: {  	[timem:s3], [sflag:s2] =	dma.local @!p0 [hbm:s0], s1  }
0x3c: {  	s0 =	simm.s32 @!p0 $0x2  }
0x3d: {  	_ =	swait.ge @!p0 [sflag:s0], s1  }
0x3e: {  	s1 =	ssub.s32 @!p0 $0x0, s1;
	[sflag:s0] =	ssyncset.done @!p0 $0x0  }
0x3f: {  	[sflag:s0] =	ssyncadd.s32 @!p0 s1  }
0x40: {  	[bflag:$0x3] =	sbarrier.arrive $0xFFFF  }
0x41: {  	_ =	shalt  }

</sc_bundles>
